<compile_context>
chip_gen: v7x
topology: tpu7x:2x2x1
jax: 0.10.2.dev20260603
libtpu: 0.0.44.dev20260713+nightly
codegen_flags: <defaults>
</compile_context>

<pallas_src>
import functools

import jax
import jax.numpy as jnp
from jax import lax
from jax.experimental import pallas as pl
from jax.experimental.pallas import tpu as pltpu
from jax.experimental.pallas import tpu_sc as plsc

B = 16384
T = 5
N_OBS = 45
E = 32
NH = 4
DH = 8
NL = 2
LAT = 16
K = 512
DEC_D = 128

R = 2048


def _lnT(x, s, b):
    m = jnp.mean(x, axis=0, keepdims=True)
    c = x - m
    v = jnp.mean(c * c, axis=0, keepdims=True)
    return c / jnp.sqrt(v + 1e-5) * s + b


def _mmT(w, x):
    return lax.dot_general(w, x, (((0,), (0,)), ((), ())),
                           preferred_element_type=jnp.float32)


def _bf(x):
    return x.astype(jnp.bfloat16).astype(jnp.float32)


def _headsum(a):
    r = a.shape[-1]
    a = jnp.sum(a.reshape(16, 2, r), axis=1)
    a = jnp.sum(a.reshape(8, 2, r), axis=1)
    return jnp.sum(a.reshape(NH, 2, r), axis=1)


def _treesum(terms):
    n = len(terms)
    if n == 1:
        return terms[0]
    if n == 2:
        return terms[0] + terms[1]
    if n == 3:
        return (terms[0] + terms[2]) + terms[1]
    if n == 4:
        return (terms[0] + terms[2]) + (terms[1] + terms[3])
    return ((terms[0] + terms[4]) + terms[2]) + (terms[1] + terms[3])


def _headbcast(a, r):
    return jnp.broadcast_to(a[:, None, :], (NH, DH, r)).reshape(NH * DH, r)


def _enc_body(xT, wobs, bobs, posT, ln1s, ln1b, qkvw, qkvb, projw, projb,
              ln2s, ln2b, fcw, fcb, fc2w, fc2b, lnfs, lnfb, headw, headb,
              cb, zT_out, idx_out):
    r = R
    h = [None] * T
    for t in range(T):
        h[t] = _mmT(wobs[...], xT[t]) + bobs[...] + posT[:, t:t + 1]

    rt8 = jnp.sqrt(jnp.float32(DH))
    for l in range(NL):
        tlist = [T - 1] if l == NL - 1 else list(range(T))
        qw = qkvw[l]
        qb = qkvb[l]
        hn = [_lnT(h[t], ln1s[l], ln1b[l]) for t in range(T)]
        qkv = [_mmT(qw, hn[t]) + qb for t in range(T)]
        q = {t: _bf(qkv[t][0:E]) for t in tlist}
        k = [_bf(qkv[t][E:2 * E]) for t in range(T)]
        v = [_bf(qkv[t][2 * E:3 * E]) for t in range(T)]
        y = {}
        for t1 in tlist:
            row = [_headsum(q[t1] * k[t2]) / rt8 for t2 in range(t1 + 1)]
            mx = row[0]
            for s_ in row[1:]:
                mx = jnp.maximum(mx, s_)
            es = [jnp.exp(s_ - mx) for s_ in row]
            den = _treesum(es)
            y[t1] = _treesum([_headbcast(_bf(es[t2] / den), r) * v[t2]
                              for t2 in range(t1 + 1)])
        pw = projw[l]
        pb = projb[l]
        for t in tlist:
            h[t] = h[t] + _mmT(pw, y[t]) + pb
        fw = fcw[l]
        fb = fcb[l]
        f2w = fc2w[l]
        f2b = fc2b[l]
        for t in tlist:
            hn2 = _lnT(h[t], ln2s[l], ln2b[l])
            g = jax.nn.gelu(_mmT(fw, hn2) + fb)
            h[t] = h[t] + _mmT(f2w, g) + f2b

    hn4 = _lnT(h[T - 1], lnfs[...], lnfb[...])
    z = _mmT(headw[...], hn4) + headb[...]
    zT_out[...] = z

    c = cb[...]
    cb2 = jnp.sum(c * c, axis=1, keepdims=True)
    z2 = jnp.sum(z * z, axis=0, keepdims=True)
    d = (z2 + cb2) - 2.0 * lax.dot_general(c, z, (((1,), (0,)), ((), ())),
                                           preferred_element_type=jnp.float32)
    dmin = jnp.min(d, axis=0, keepdims=True)
    ii = lax.broadcasted_iota(jnp.int32, d.shape, 0)
    idx_out[...] = jnp.min(jnp.where(d == dmin, ii, K), axis=0, keepdims=True)


def _ln_row(x, s, b):
    m = jnp.mean(x, axis=1, keepdims=True)
    c = x - m
    v = jnp.mean(c * c, axis=1, keepdims=True)
    return c / jnp.sqrt(v + 1e-5) * s + b


def _elu(x):
    return jnp.where(x > 0, x, jnp.exp(x) - 1.0)


def _table_body(cb, d0w, d0b, d0s, d0bb, d1w, d1b, d1s, d1bb, d2w, d2b, out):
    c = cb[...]
    h = jnp.dot(c, d0w[...], preferred_element_type=jnp.float32) + d0b[...]
    h = _elu(_ln_row(h, d0s[...], d0bb[...]))
    h = jnp.dot(h, d1w[...], preferred_element_type=jnp.float32) + d1b[...]
    h = _elu(_ln_row(h, d1s[...], d1bb[...]))
    o = jnp.dot(h, d2w[...], preferred_element_type=jnp.float32) + d2b[...]
    out[...] = jnp.concatenate(
        [c, o, jnp.zeros((K, DEC_D - LAT - N_OBS), jnp.float32)], axis=1)


def _full(shape):
    rank = len(shape)
    return pl.BlockSpec(shape, lambda *_, _r=rank: (0,) * _r)


def _encode(xT, p):
    grid = (B // R,)
    col2 = lambda a: a.reshape(a.shape[0], a.shape[1], 1)
    in_specs = [pl.BlockSpec((T, N_OBS, R), lambda i: (0, 0, i))]
    args = [xT]

    def add(a, spec_shape=None):
        args.append(a)
        in_specs.append(_full(a.shape))

    add(p['W_obs'])
    add(p['b_obs'].reshape(E, 1))
    add(p['pos'][:T].T)
    add(col2(p['ln1_s']))
    add(col2(p['ln1_b']))
    add(p['qkv_w'])
    add(col2(p['qkv_b']))
    add(p['proj_w'])
    add(col2(p['proj_b']))
    add(col2(p['ln2_s']))
    add(col2(p['ln2_b']))
    add(p['fc_w'])
    add(col2(p['fc_b']))
    add(p['fc2_w'])
    add(col2(p['fc2_b']))
    add(p['lnf_s'].reshape(E, 1))
    add(p['lnf_b'].reshape(E, 1))
    add(p['head_w'])
    add(p['head_b'].reshape(LAT, 1))
    add(p['codebook'])

    zT, idx = pl.pallas_call(
        _enc_body,
        grid=grid,
        in_specs=in_specs,
        out_specs=[pl.BlockSpec((LAT, R), lambda i: (0, i)),
                   pl.BlockSpec((1, R), lambda i: (0, i))],
        out_shape=[jax.ShapeDtypeStruct((LAT, B), jnp.float32),
                   jax.ShapeDtypeStruct((1, B), jnp.int32)],
        compiler_params=pltpu.CompilerParams(
            dimension_semantics=("parallel",)),
    )(*args)
    return zT, idx


def _make_table(p):
    args = [p['codebook'],
            p['dec0_w'], p['dec0_b'].reshape(1, 64),
            p['dec0_ln_s'].reshape(1, 64), p['dec0_ln_b'].reshape(1, 64),
            p['dec1_w'], p['dec1_b'].reshape(1, 128),
            p['dec1_ln_s'].reshape(1, 128), p['dec1_ln_b'].reshape(1, 128),
            p['dec2_w'], p['dec2_b'].reshape(1, N_OBS)]
    return pl.pallas_call(
        _table_body,
        in_specs=[_full(a.shape) for a in args],
        out_specs=_full((K, DEC_D)),
        out_shape=jax.ShapeDtypeStruct((K, DEC_D), jnp.float32),
    )(*args)


def _sc_gather(table, idx):
    info = plsc.get_sparse_core_info()
    nw = info.num_cores * info.num_subcores
    bw = B // nw
    mesh = plsc.VectorSubcoreMesh(core_axis_name="c", subcore_axis_name="s")

    @functools.partial(
        pl.kernel, mesh=mesh,
        out_type=jax.ShapeDtypeStruct((B, DEC_D), jnp.float32),
        scratch_types=[
            pltpu.VMEM((bw,), jnp.int32),
            pltpu.VMEM((bw, DEC_D), jnp.float32),
            pltpu.SemaphoreType.DMA,
        ],
    )
    def k(table_hbm, idx_hbm, out_hbm, idx_v, rows_v, sem):
        wid = lax.axis_index("s") * info.num_cores + lax.axis_index("c")
        base = wid * bw
        pltpu.sync_copy(idx_hbm.at[pl.ds(base, bw)], idx_v)
        pltpu.async_copy(table_hbm.at[idx_v], rows_v, sem).wait()
        pltpu.sync_copy(rows_v, out_hbm.at[pl.ds(base, bw)])

    return k(table, idx)


def kernel(input, params):
    xT = jnp.transpose(input, (1, 2, 0))
    zT, idx = _encode(xT, params)
    table = _make_table(params)
    g = _sc_gather(table, idx.reshape(B))
    quantized = g[:, :LAT]
    input_hat = g[:, LAT:LAT + N_OBS]
    z = zT.T
    return input_hat, quantized, z

# --- scband reference (transcript-rebuilt; emitter-appended) ---
"""Pipeline reference for scband-vqvae-trans-43026982372008 (READ-ONLY COPY).

The authoritative reference and input builder live on the scoring server;
editing this copy changes nothing except your own understanding.
"""

import jax, jax.numpy as jnp
import numpy as np

B = 16384
T = 5
N_OBS = 45
N_EMBD = 32
N_HEAD = 4
N_LAYER = 2
LATENT = 16
K = 512
BLOCK = 9


def _ln(x, s, b):
    m = x.mean(axis=-1, keepdims=True)
    v = x.var(axis=-1, keepdims=True)
    return (x - m) / jnp.sqrt(v + 1e-5) * s + b


def setup_inputs(seed: int = 0) -> dict:
    key = jax.random.key(seed)
    ks = jax.random.split(key, 24)
    def nrm(k, shape, scale=0.02):
        return jax.random.normal(k, shape, dtype=jnp.float32) * scale
    params = {
        'W_obs': nrm(ks[0], (N_OBS, N_EMBD)),
        'b_obs': jnp.zeros((N_EMBD,), jnp.float32),
        'pos': nrm(ks[1], (BLOCK, N_EMBD)),
        'ln1_s': jnp.ones((N_LAYER, N_EMBD), jnp.float32),
        'ln1_b': jnp.zeros((N_LAYER, N_EMBD), jnp.float32),
        'qkv_w': nrm(ks[2], (N_LAYER, N_EMBD, 3 * N_EMBD)),
        'qkv_b': jnp.zeros((N_LAYER, 3 * N_EMBD), jnp.float32),
        'proj_w': nrm(ks[3], (N_LAYER, N_EMBD, N_EMBD)),
        'proj_b': jnp.zeros((N_LAYER, N_EMBD), jnp.float32),
        'ln2_s': jnp.ones((N_LAYER, N_EMBD), jnp.float32),
        'ln2_b': jnp.zeros((N_LAYER, N_EMBD), jnp.float32),
        'fc_w': nrm(ks[4], (N_LAYER, N_EMBD, 4 * N_EMBD)),
        'fc_b': jnp.zeros((N_LAYER, 4 * N_EMBD), jnp.float32),
        'fc2_w': nrm(ks[5], (N_LAYER, 4 * N_EMBD, N_EMBD)),
        'fc2_b': jnp.zeros((N_LAYER, N_EMBD), jnp.float32),
        'lnf_s': jnp.ones((N_EMBD,), jnp.float32),
        'lnf_b': jnp.zeros((N_EMBD,), jnp.float32),
        'head_w': nrm(ks[6], (N_EMBD, LATENT)),
        'head_b': jnp.zeros((LATENT,), jnp.float32),
        'dec0_w': nrm(ks[7], (LATENT, 64)),
        'dec0_b': jnp.zeros((64,), jnp.float32),
        'dec0_ln_s': jnp.ones((64,), jnp.float32),
        'dec0_ln_b': jnp.zeros((64,), jnp.float32),
        'dec1_w': nrm(ks[8], (64, 128)),
        'dec1_b': jnp.zeros((128,), jnp.float32),
        'dec1_ln_s': jnp.ones((128,), jnp.float32),
        'dec1_ln_b': jnp.zeros((128,), jnp.float32),
        'dec2_w': nrm(ks[9], (128, 45)),
        'dec2_b': jnp.zeros((45,), jnp.float32),
        'codebook': jax.random.uniform(ks[10], (K, LATENT), jnp.float32, minval=-1.0 / K, maxval=1.0 / K),
    }
    x = jax.random.normal(ks[11], (B, T, N_OBS), dtype=jnp.float32)
    return {'input': x, 'params': params}


def _forward(x, p):
    b, t = x.shape[0], x.shape[1]
    dh = N_EMBD // N_HEAD
    h = x @ p['W_obs'] + p['b_obs']
    h = h + p['pos'][:t]
    mask = jnp.tril(jnp.ones((t, t), bool))
    for l in range(N_LAYER):
        hn = _ln(h, p['ln1_s'][l], p['ln1_b'][l])
        qkv = hn @ p['qkv_w'][l] + p['qkv_b'][l]
        q, k, v = jnp.split(qkv, 3, axis=-1)
        q = q.reshape(b, t, N_HEAD, dh).transpose(0, 2, 1, 3)
        k = k.reshape(b, t, N_HEAD, dh).transpose(0, 2, 1, 3)
        v = v.reshape(b, t, N_HEAD, dh).transpose(0, 2, 1, 3)
        att = jnp.einsum('bhqd,bhkd->bhqk', q, k) / jnp.sqrt(jnp.float32(dh))
        att = jnp.where(mask, att, jnp.float32(-1e9))
        att = jax.nn.softmax(att, axis=-1)
        y = jnp.einsum('bhqk,bhkd->bhqd', att, v).transpose(0, 2, 1, 3).reshape(b, t, N_EMBD)
        h = h + y @ p['proj_w'][l] + p['proj_b'][l]
        hn = _ln(h, p['ln2_s'][l], p['ln2_b'][l])
        h = h + jax.nn.gelu(hn @ p['fc_w'][l] + p['fc_b'][l]) @ p['fc2_w'][l] + p['fc2_b'][l]
    h = _ln(h, p['lnf_s'], p['lnf_b'])
    z = h[:, -1, :] @ p['head_w'] + p['head_b']
    cb = p['codebook']
    d = (z ** 2).sum(axis=-1, keepdims=True) + (cb ** 2).sum(axis=-1) - 2.0 * (z @ cb.T)
    idx = jnp.argmin(d, axis=-1)
    one_hot = jax.nn.one_hot(idx, K, dtype=z.dtype)
    quantized = one_hot @ cb
    q_st = z + jax.lax.stop_gradient(quantized - z)
    h2 = jax.nn.elu(_ln(q_st @ p['dec0_w'] + p['dec0_b'], p['dec0_ln_s'], p['dec0_ln_b']))
    h2 = jax.nn.elu(_ln(h2 @ p['dec1_w'] + p['dec1_b'], p['dec1_ln_s'], p['dec1_ln_b']))
    input_hat = h2 @ p['dec2_w'] + p['dec2_b']
    return input_hat, quantized, z


def reference(input, params):
    return _forward(input, params)

if __name__ == "__main__":
    import jax
    _d = setup_inputs()
    print(jax.jit(kernel)(*tuple(_d.values())))

</pallas_src>

<mosaic_0001>
#map = affine_map<(d0, d1) -> (0, 0)>
#map1 = affine_map<(d0, d1) -> (0)>
module attributes {stable_mosaic.version = 14 : i64} {
  func.func @k(%arg0: i32, %arg1: i32, %arg2: memref<512x128xf32, #tpu.memory_space<hbm>>, %arg3: memref<16384xi32, #tpu.memory_space<hbm>>, %arg4: memref<16384x128xf32, #tpu.memory_space<hbm>>, %arg5: memref<512xi32, #tpu.memory_space<vmem>>, %arg6: memref<512x128xf32, #tpu.memory_space<vmem>>, %arg7: memref<!tpu.dma_semaphore, #tpu.memory_space<semaphore_mem>>) attributes {dimension_semantics = [#tpu.dimension_semantics<core_parallel>, #tpu.dimension_semantics<subcore_parallel>], iteration_bounds = array<i64: 2, 16>, scalar_prefetch = 0 : i64, scratch_operands = 3 : i64, tpu.core_type = #tpu.core_type<sc_vector_subcore>, window_params = [{transform_indices = #map}, {transform_indices = #map1}, {transform_indices = #map}]} {
    %mul3A = arith.constant 2 : i32
    %mul3A_0 = arith.muli %arg1, %mul3A : i32
    %add3A = arith.addi %mul3A_0, %arg0 : i32
    %mul3A_1 = arith.constant 512 : i32
    %mul3A_2 = arith.muli %add3A, %mul3A_1 : i32
    "tpu.region"() ({
      %run_scoped3A = tpu.sem_alloc : memref<!tpu.dma_semaphore, #tpu.memory_space<semaphore_mem>>
      %dma_start3A_7 = tpu.memref_slice %arg3[%mul3A_2] : memref<16384xi32, #tpu.memory_space<hbm>> -> memref<512xi32, #tpu.memory_space<hbm>>
      %dma_start3A_8 = tpu.memref_slice %arg3[%mul3A_2] : memref<16384xi32, #tpu.memory_space<hbm>> -> memref<512xi32, #tpu.memory_space<hbm>>
      tpu.enqueue_dma source(%dma_start3A_8 : memref<512xi32, #tpu.memory_space<hbm>>) target(%arg5 : memref<512xi32, #tpu.memory_space<vmem>>) target_semaphore(%run_scoped3A : memref<!tpu.dma_semaphore, #tpu.memory_space<semaphore_mem>>)
      %dma_wait3A_9 = tpu.memref_slice %arg3[%mul3A_2] : memref<16384xi32, #tpu.memory_space<hbm>> -> memref<512xi32, #tpu.memory_space<hbm>>
      %dma_wait3A_10 = tpu.memref_slice %arg3[%mul3A_2] : memref<16384xi32, #tpu.memory_space<hbm>> -> memref<512xi32, #tpu.memory_space<hbm>>
      tpu.wait_dma2 semaphore(%run_scoped3A : memref<!tpu.dma_semaphore, #tpu.memory_space<semaphore_mem>>) src(%dma_wait3A_10 : memref<512xi32, #tpu.memory_space<hbm>>) dst(%arg5 : memref<512xi32, #tpu.memory_space<vmem>>)
      tpu.yield
    }) : () -> ()
    %dma_start3A = arith.constant 0 : i32
    %dma_start3A_3 = arith.constant 0 : i32
    %dma_start3A_4 = tpu.memref_slice %arg2[%dma_start3A, %dma_start3A_3] : memref<512x128xf32, #tpu.memory_space<hbm>> -> memref<512x128xf32, #tpu.memory_space<hbm>>
    tpu.enqueue_indirect_dma source(%dma_start3A_4 : memref<512x128xf32, #tpu.memory_space<hbm>>) target(%arg6 : memref<512x128xf32, #tpu.memory_space<vmem>>) offsets(%arg5 : memref<512xi32, #tpu.memory_space<vmem>>) semaphore(%arg7 : memref<!tpu.dma_semaphore, #tpu.memory_space<semaphore_mem>>)
    %dma_wait3A = arith.constant 0 : i32
    %dma_wait3A_5 = arith.constant 0 : i32
    %dma_wait3A_6 = tpu.memref_slice %arg2[%dma_wait3A, %dma_wait3A_5] : memref<512x128xf32, #tpu.memory_space<hbm>> -> memref<512x128xf32, #tpu.memory_space<hbm>>
    tpu.wait_indirect_dma semaphore(%arg7 : memref<!tpu.dma_semaphore, #tpu.memory_space<semaphore_mem>>) src(%dma_wait3A_6 : memref<512x128xf32, #tpu.memory_space<hbm>>) dst(%arg6 : memref<512x128xf32, #tpu.memory_space<vmem>>)
    "tpu.region"() ({
      %run_scoped3A = tpu.sem_alloc : memref<!tpu.dma_semaphore, #tpu.memory_space<semaphore_mem>>
      %dma_start3A_7 = arith.constant 0 : i32
      %dma_start3A_8 = tpu.memref_slice %arg4[%mul3A_2, %dma_start3A_7] : memref<16384x128xf32, #tpu.memory_space<hbm>> -> memref<512x128xf32, #tpu.memory_space<hbm>>
      %dma_start3A_9 = arith.constant 0 : i32
      %dma_start3A_10 = tpu.memref_slice %arg4[%mul3A_2, %dma_start3A_9] : memref<16384x128xf32, #tpu.memory_space<hbm>> -> memref<512x128xf32, #tpu.memory_space<hbm>>
      tpu.enqueue_dma source(%arg6 : memref<512x128xf32, #tpu.memory_space<vmem>>) target(%dma_start3A_10 : memref<512x128xf32, #tpu.memory_space<hbm>>) target_semaphore(%run_scoped3A : memref<!tpu.dma_semaphore, #tpu.memory_space<semaphore_mem>>)
      %dma_wait3A_11 = arith.constant 0 : i32
      %dma_wait3A_12 = tpu.memref_slice %arg4[%mul3A_2, %dma_wait3A_11] : memref<16384x128xf32, #tpu.memory_space<hbm>> -> memref<512x128xf32, #tpu.memory_space<hbm>>
      %dma_wait3A_13 = arith.constant 0 : i32
      %dma_wait3A_14 = tpu.memref_slice %arg4[%mul3A_2, %dma_wait3A_13] : memref<16384x128xf32, #tpu.memory_space<hbm>> -> memref<512x128xf32, #tpu.memory_space<hbm>>
      tpu.wait_dma2 semaphore(%run_scoped3A : memref<!tpu.dma_semaphore, #tpu.memory_space<semaphore_mem>>) src(%arg6 : memref<512x128xf32, #tpu.memory_space<vmem>>) dst(%dma_wait3A_14 : memref<512x128xf32, #tpu.memory_space<hbm>>)
      tpu.yield
    }) : () -> ()
    return
  }
}

module attributes {stable_mosaic.version = 14 : i64} {
  func.func @_table_body(%arg0: memref<512x16xf32, #tpu.memory_space<vmem>>, %arg1: memref<16x64xf32, #tpu.memory_space<vmem>>, %arg2: memref<1x64xf32, #tpu.memory_space<vmem>>, %arg3: memref<1x64xf32, #tpu.memory_space<vmem>>, %arg4: memref<1x64xf32, #tpu.memory_space<vmem>>, %arg5: memref<64x128xf32, #tpu.memory_space<vmem>>, %arg6: memref<1x128xf32, #tpu.memory_space<vmem>>, %arg7: memref<1x128xf32, #tpu.memory_space<vmem>>, %arg8: memref<1x128xf32, #tpu.memory_space<vmem>>, %arg9: memref<128x45xf32, #tpu.memory_space<vmem>>, %arg10: memref<1x45xf32, #tpu.memory_space<vmem>>, %arg11: memref<512x128xf32, #tpu.memory_space<vmem>>) attributes {dimension_semantics = [], scalar_prefetch = 0 : i64, scratch_operands = 0 : i64, tpu.core_type = #tpu.core_type<tc>} {
    %get3A = arith.constant 0 : index
    %get3A_0 = arith.constant 0 : index
    %get3A_1 = vector.load %arg0[%get3A, %get3A_0] : memref<512x16xf32, #tpu.memory_space<vmem>>, vector<512x16xf32>
    %get3A_2 = arith.constant 0 : index
    %get3A_3 = arith.constant 0 : index
    %get3A_4 = vector.load %arg1[%get3A_2, %get3A_3] : memref<16x64xf32, #tpu.memory_space<vmem>>, vector<16x64xf32>
    %dot_general3A = arith.constant dense<0.000000e+00> : vector<512x64xf32>
    %dot_general3A_5 = tpu.matmul %get3A_1, %get3A_4, %dot_general3A {dimension_numbers = #tpu.dot_dimension_numbers<[1], [0], [0], [1], [0, 0, 1, 1], [], []>, transpose_lhs_hint = false} : vector<512x16xf32>, vector<16x64xf32>, vector<512x64xf32> -> vector<512x64xf32>
    %get3A_6 = arith.constant 0 : index
    %get3A_7 = arith.constant 0 : index
    %get3A_8 = vector.load %arg2[%get3A_6, %get3A_7] : memref<1x64xf32, #tpu.memory_space<vmem>>, vector<1x64xf32>
    %add3A = vector.broadcast %get3A_8 : vector<1x64xf32> to vector<512x64xf32>
    %add3A_9 = arith.addf %dot_general3A_5, %add3A : vector<512x64xf32>
    %get3A_10 = arith.constant 0 : index
    %get3A_11 = arith.constant 0 : index
    %get3A_12 = vector.load %arg3[%get3A_10, %get3A_11] : memref<1x64xf32, #tpu.memory_space<vmem>>, vector<1x64xf32>
    %get3A_13 = arith.constant 0 : index
    %get3A_14 = arith.constant 0 : index
    %get3A_15 = vector.load %arg4[%get3A_13, %get3A_14] : memref<1x64xf32, #tpu.memory_space<vmem>>, vector<1x64xf32>
    %reduce_sum3A = arith.constant dense<0.000000e+00> : vector<512xf32>
    %reduce_sum3A_16 = vector.multi_reduction <add>, %add3A_9, %reduce_sum3A [1] : vector<512x64xf32> to vector<512xf32>
    %broadcast_in_dim3A = vector.shape_cast %reduce_sum3A_16 : vector<512xf32> to vector<512x1xf32>
    %div3A = arith.constant 6.400000e+01 : f32
    %div3A_17 = vector.broadcast %div3A : f32 to vector<512x1xf32>
    %div3A_18 = arith.divf %broadcast_in_dim3A, %div3A_17 : vector<512x1xf32>
    %sub3A = vector.broadcast %div3A_18 : vector<512x1xf32> to vector<512x64xf32>
    %sub3A_19 = arith.subf %add3A_9, %sub3A : vector<512x64xf32>
    %mul3A = arith.mulf %sub3A_19, %sub3A_19 : vector<512x64xf32>
    %reduce_sum3A_20 = arith.constant dense<0.000000e+00> : vector<512xf32>
    %reduce_sum3A_21 = vector.multi_reduction <add>, %mul3A, %reduce_sum3A_20 [1] : vector<512x64xf32> to vector<512xf32>
    %broadcast_in_dim3A_22 = vector.shape_cast %reduce_sum3A_21 : vector<512xf32> to vector<512x1xf32>
    %div3A_23 = arith.constant 6.400000e+01 : f32
    %div3A_24 = vector.broadcast %div3A_23 : f32 to vector<512x1xf32>
    %div3A_25 = arith.divf %broadcast_in_dim3A_22, %div3A_24 : vector<512x1xf32>
    %add3A_26 = arith.constant 9.99999974E-6 : f32
    %add3A_27 = vector.broadcast %add3A_26 : f32 to vector<512x1xf32>
    %add3A_28 = arith.addf %div3A_25, %add3A_27 : vector<512x1xf32>
    %sqrt3A = math.sqrt %add3A_28 : vector<512x1xf32>
    %div3A_29 = vector.broadcast %sqrt3A : vector<512x1xf32> to vector<512x64xf32>
    %div3A_30 = arith.divf %sub3A_19, %div3A_29 : vector<512x64xf32>
    %mul3A_31 = vector.broadcast %get3A_12 : vector<1x64xf32> to vector<512x64xf32>
    %mul3A_32 = arith.mulf %div3A_30, %mul3A_31 : vector<512x64xf32>
    %add3A_33 = vector.broadcast %get3A_15 : vector<1x64xf32> to vector<512x64xf32>
    %add3A_34 = arith.addf %mul3A_32, %add3A_33 : vector<512x64xf32>
    %gt3A = arith.constant 0.000000e+00 : f32
    %gt3A_35 = vector.broadcast %gt3A : f32 to vector<512x64xf32>
    %gt3A_36 = arith.cmpf ogt, %add3A_34, %gt3A_35 : vector<512x64xf32>
    %exp3A = math.exp %add3A_34 : vector<512x64xf32>
    %sub3A_37 = arith.constant 1.000000e+00 : f32
    %sub3A_38 = vector.broadcast %sub3A_37 : f32 to vector<512x64xf32>
    %sub3A_39 = arith.subf %exp3A, %sub3A_38 : vector<512x64xf32>
    %select_n3A = arith.select %gt3A_36, %add3A_34, %sub3A_39 : vector<512x64xi1>, vector<512x64xf32>
    %get3A_40 = arith.constant 0 : index
    %get3A_41 = arith.constant 0 : index
    %get3A_42 = vector.load %arg5[%get3A_40, %get3A_41] : memref<64x128xf32, #tpu.memory_space<vmem>>, vector<64x128xf32>
    %dot_general3A_43 = arith.constant dense<0.000000e+00> : vector<512x128xf32>
    %dot_general3A_44 = tpu.matmul %select_n3A, %get3A_42, %dot_general3A_43 {dimension_numbers = #tpu.dot_dimension_numbers<[1], [0], [0], [1], [0, 0, 1, 1], [], []>, transpose_lhs_hint = false} : vector<512x64xf32>, vector<64x128xf32>, vector<512x128xf32> -> vector<512x128xf32>
    %get3A_45 = arith.constant 0 : index
    %get3A_46 = arith.constant 0 : index
    %get3A_47 = vector.load %arg6[%get3A_45, %get3A_46] : memref<1x128xf32, #tpu.memory_space<vmem>>, vector<1x128xf32>
    %add3A_48 = vector.broadcast %get3A_47 : vector<1x128xf32> to vector<512x128xf32>
    %add3A_49 = arith.addf %dot_general3A_44, %add3A_48 : vector<512x128xf32>
    %get3A_50 = arith.constant 0 : index
    %get3A_51 = arith.constant 0 : index
    %get3A_52 = vector.load %arg7[%get3A_50, %get3A_51] : memref<1x128xf32, #tpu.memory_space<vmem>>, vector<1x128xf32>
    %get3A_53 = arith.constant 0 : index
    %get3A_54 = arith.constant 0 : index
    %get3A_55 = vector.load %arg8[%get3A_53, %get3A_54] : memref<1x128xf32, #tpu.memory_space<vmem>>, vector<1x128xf32>
    %reduce_sum3A_56 = arith.constant dense<0.000000e+00> : vector<512xf32>
    %reduce_sum3A_57 = vector.multi_reduction <add>, %add3A_49, %reduce_sum3A_56 [1] : vector<512x128xf32> to vector<512xf32>
    %broadcast_in_dim3A_58 = vector.shape_cast %reduce_sum3A_57 : vector<512xf32> to vector<512x1xf32>
    %div3A_59 = arith.constant 1.280000e+02 : f32
    %div3A_60 = vector.broadcast %div3A_59 : f32 to vector<512x1xf32>
    %div3A_61 = arith.divf %broadcast_in_dim3A_58, %div3A_60 : vector<512x1xf32>
    %sub3A_62 = vector.broadcast %div3A_61 : vector<512x1xf32> to vector<512x128xf32>
    %sub3A_63 = arith.subf %add3A_49, %sub3A_62 : vector<512x128xf32>
    %mul3A_64 = arith.mulf %sub3A_63, %sub3A_63 : vector<512x128xf32>
    %reduce_sum3A_65 = arith.constant dense<0.000000e+00> : vector<512xf32>
    %reduce_sum3A_66 = vector.multi_reduction <add>, %mul3A_64, %reduce_sum3A_65 [1] : vector<512x128xf32> to vector<512xf32>
    %broadcast_in_dim3A_67 = vector.shape_cast %reduce_sum3A_66 : vector<512xf32> to vector<512x1xf32>
    %div3A_68 = arith.constant 1.280000e+02 : f32
    %div3A_69 = vector.broadcast %div3A_68 : f32 to vector<512x1xf32>
    %div3A_70 = arith.divf %broadcast_in_dim3A_67, %div3A_69 : vector<512x1xf32>
    %add3A_71 = arith.constant 9.99999974E-6 : f32
    %add3A_72 = vector.broadcast %add3A_71 : f32 to vector<512x1xf32>
    %add3A_73 = arith.addf %div3A_70, %add3A_72 : vector<512x1xf32>
    %sqrt3A_74 = math.sqrt %add3A_73 : vector<512x1xf32>
    %div3A_75 = vector.broadcast %sqrt3A_74 : vector<512x1xf32> to vector<512x128xf32>
    %div3A_76 = arith.divf %sub3A_63, %div3A_75 : vector<512x128xf32>
    %mul3A_77 = vector.broadcast %get3A_52 : vector<1x128xf32> to vector<512x128xf32>
    %mul3A_78 = arith.mulf %div3A_76, %mul3A_77 : vector<512x128xf32>
    %add3A_79 = vector.broadcast %get3A_55 : vector<1x128xf32> to vector<512x128xf32>
    %add3A_80 = arith.addf %mul3A_78, %add3A_79 : vector<512x128xf32>
    %gt3A_81 = arith.constant 0.000000e+00 : f32
    %gt3A_82 = vector.broadcast %gt3A_81 : f32 to vector<512x128xf32>
    %gt3A_83 = arith.cmpf ogt, %add3A_80, %gt3A_82 : vector<512x128xf32>
    %exp3A_84 = math.exp %add3A_80 : vector<512x128xf32>
    %sub3A_85 = arith.constant 1.000000e+00 : f32
    %sub3A_86 = vector.broadcast %sub3A_85 : f32 to vector<512x128xf32>
    %sub3A_87 = arith.subf %exp3A_84, %sub3A_86 : vector<512x128xf32>
    %select_n3A_88 = arith.select %gt3A_83, %add3A_80, %sub3A_87 : vector<512x128xi1>, vector<512x128xf32>
    %get3A_89 = arith.constant 0 : index
    %get3A_90 = arith.constant 0 : index
    %get3A_91 = vector.load %arg9[%get3A_89, %get3A_90] : memref<128x45xf32, #tpu.memory_space<vmem>>, vector<128x45xf32>
    %dot_general3A_92 = arith.constant dense<0.000000e+00> : vector<512x45xf32>
    %dot_general3A_93 = tpu.matmul %select_n3A_88, %get3A_91, %dot_general3A_92 {dimension_numbers = #tpu.dot_dimension_numbers<[1], [0], [0], [1], [0, 0, 1, 1], [], []>, transpose_lhs_hint = false} : vector<512x128xf32>, vector<128x45xf32>, vector<512x45xf32> -> vector<512x45xf32>
    %get3A_94 = arith.constant 0 : index
    %get3A_95 = arith.constant 0 : index
    %get3A_96 = vector.load %arg10[%get3A_94, %get3A_95] : memref<1x45xf32, #tpu.memory_space<vmem>>, vector<1x45xf32>
    %add3A_97 = vector.broadcast %get3A_96 : vector<1x45xf32> to vector<512x45xf32>
    %add3A_98 = arith.addf %dot_general3A_93, %add3A_97 : vector<512x45xf32>
    %broadcast_in_dim3A_99 = arith.constant 0.000000e+00 : f32
    %broadcast_in_dim3A_100 = vector.broadcast %broadcast_in_dim3A_99 : f32 to vector<512x67xf32>
    %concatenate3A = tpu.concatenate %get3A_1, %add3A_98, %broadcast_in_dim3A_100 in 1 : vector<512x16xf32>, vector<512x45xf32>, vector<512x67xf32> -> vector<512x128xf32>
    %swap3A = arith.constant 0 : index
    %swap3A_101 = arith.constant 0 : index
    %swap3A_102 = vector.load %arg11[%swap3A, %swap3A_101] : memref<512x128xf32, #tpu.memory_space<vmem>>, vector<512x128xf32>
    tpu.vector_store %arg11[%swap3A, %swap3A_101], %concatenate3A {strides = array<i32>} : memref<512x128xf32, #tpu.memory_space<vmem>>, vector<512x128xf32>,
    return
  }
}

module attributes {stable_mosaic.version = 14 : i64} {
  func.func @_enc_body(%arg0: i32, %arg1: memref<5x45x2048xf32, #tpu.memory_space<vmem>>, %arg2: memref<45x32xf32, #tpu.memory_space<vmem>>, %arg3: memref<32x1xf32, #tpu.memory_space<vmem>>, %arg4: memref<32x5xf32, #tpu.memory_space<vmem>>, %arg5: memref<2x32x1xf32, #tpu.memory_space<vmem>>, %arg6: memref<2x32x1xf32, #tpu.memory_space<vmem>>, %arg7: memref<2x32x96xf32, #tpu.memory_space<vmem>>, %arg8: memref<2x96x1xf32, #tpu.memory_space<vmem>>, %arg9: memref<2x32x32xf32, #tpu.memory_space<vmem>>, %arg10: memref<2x32x1xf32, #tpu.memory_space<vmem>>, %arg11: memref<2x32x1xf32, #tpu.memory_space<vmem>>, %arg12: memref<2x32x1xf32, #tpu.memory_space<vmem>>, %arg13: memref<2x32x128xf32, #tpu.memory_space<vmem>>, %arg14: memref<2x128x1xf32, #tpu.memory_space<vmem>>, %arg15: memref<2x128x32xf32, #tpu.memory_space<vmem>>, %arg16: memref<2x32x1xf32, #tpu.memory_space<vmem>>, %arg17: memref<32x1xf32, #tpu.memory_space<vmem>>, %arg18: memref<32x1xf32, #tpu.memory_space<vmem>>, %arg19: memref<32x16xf32, #tpu.memory_space<vmem>>, %arg20: memref<16x1xf32, #tpu.memory_space<vmem>>, %arg21: memref<512x16xf32, #tpu.memory_space<vmem>>, %arg22: memref<16x2048xf32, #tpu.memory_space<vmem>>, %arg23: memref<1x2048xi32, #tpu.memory_space<vmem>>) attributes {dimension_semantics = [#tpu.dimension_semantics<parallel>], iteration_bounds = array<i64: 8>, scalar_prefetch = 0 : i64, scratch_operands = 0 : i64, tpu.core_type = #tpu.core_type<tc>, window_params = [{transform_indices = @transform_0, window_bounds = array<i64: 5, 45, 2048>}, {pipeline_mode = #tpu.pipeline_mode<synchronous>, transform_indices = @transform_1, window_bounds = array<i64: 45, 32>}, {pipeline_mode = #tpu.pipeline_mode<synchronous>, transform_indices = @transform_2, window_bounds = array<i64: 32, 1>}, {pipeline_mode = #tpu.pipeline_mode<synchronous>, transform_indices = @transform_3, window_bounds = array<i64: 32, 5>}, {pipeline_mode = #tpu.pipeline_mode<synchronous>, transform_indices = @transform_4, window_bounds = array<i64: 2, 32, 1>}, {pipeline_mode = #tpu.pipeline_mode<synchronous>, transform_indices = @transform_5, window_bounds = array<i64: 2, 32, 1>}, {pipeline_mode = #tpu.pipeline_mode<synchronous>, transform_indices = @transform_6, window_bounds = array<i64: 2, 32, 96>}, {pipeline_mode = #tpu.pipeline_mode<synchronous>, transform_indices = @transform_7, window_bounds = array<i64: 2, 96, 1>}, {pipeline_mode = #tpu.pipeline_mode<synchronous>, transform_indices = @transform_8, window_bounds = array<i64: 2, 32, 32>}, {pipeline_mode = #tpu.pipeline_mode<synchronous>, transform_indices = @transform_9, window_bounds = array<i64: 2, 32, 1>}, {pipeline_mode = #tpu.pipeline_mode<synchronous>, transform_indices = @transform_10, window_bounds = array<i64: 2, 32, 1>}, {pipeline_mode = #tpu.pipeline_mode<synchronous>, transform_indices = @transform_11, window_bounds = array<i64: 2, 32, 1>}, {pipeline_mode = #tpu.pipeline_mode<synchronous>, transform_indices = @transform_12, window_bounds = array<i64: 2, 32, 128>}, {pipeline_mode = #tpu.pipeline_mode<synchronous>, transform_indices = @transform_13, window_bounds = array<i64: 2, 128, 1>}, {pipeline_mode = #tpu.pipeline_mode<synchronous>, transform_indices = @transform_14, window_bounds = array<i64: 2, 128, 32>}, {pipeline_mode = #tpu.pipeline_mode<synchronous>, transform_indices = @transform_15, window_bounds = array<i64: 2, 32, 1>}, {pipeline_mode = #tpu.pipeline_mode<synchronous>, transform_indices = @transform_16, window_bounds = array<i64: 32, 1>}, {pipeline_mode = #tpu.pipeline_mode<synchronous>, transform_indices = @transform_17, window_bounds = array<i64: 32, 1>}, {pipeline_mode = #tpu.pipeline_mode<synchronous>, transform_indices = @transform_18, window_bounds = array<i64: 32, 16>}, {pipeline_mode = #tpu.pipeline_mode<synchronous>, transform_indices = @transform_19, window_bounds = array<i64: 16, 1>}, {pipeline_mode = #tpu.pipeline_mode<synchronous>, transform_indices = @transform_20, window_bounds = array<i64: 512, 16>}, {transform_indices = @transform_21, window_bounds = array<i64: 16, 2048>}, {transform_indices = @transform_22, window_bounds = array<i64: 1, 2048>}]} {
    %get3A = arith.constant 0 : index
    %get3A_0 = arith.constant 0 : index
    %get3A_1 = vector.load %arg2[%get3A, %get3A_0] : memref<45x32xf32, #tpu.memory_space<vmem>>, vector<45x32xf32>
    %get3A_2 = arith.constant 0 : index
    %get3A_3 = arith.constant 0 : index
    %get3A_4 = arith.constant 0 : index
    %get3A_5 = vector.load %arg1[%get3A_2, %get3A_3, %get3A_4] : memref<5x45x2048xf32, #tpu.memory_space<vmem>>, vector<1x45x2048xf32>
    %get3A_6 = vector.shape_cast %get3A_5 : vector<1x45x2048xf32> to vector<45x2048xf32>
    %dot_general3A = arith.constant dense<0.000000e+00> : vector<32x2048xf32>
    %dot_general3A_7 = tpu.matmul %get3A_1, %get3A_6, %dot_general3A {dimension_numbers = #tpu.dot_dimension_numbers<[0], [0], [1], [1], [0, 1, 1, 1], [], []>, transpose_lhs_hint = false} : vector<45x32xf32>, vector<45x2048xf32>, vector<32x2048xf32> -> vector<32x2048xf32>
    %get3A_8 = arith.constant 0 : index
    %get3A_9 = arith.constant 0 : index
    %get3A_10 = vector.load %arg3[%get3A_8, %get3A_9] : memref<32x1xf32, #tpu.memory_space<vmem>>, vector<32x1xf32>
    %add3A = vector.broadcast %get3A_10 : vector<32x1xf32> to vector<32x2048xf32>
    %add3A_11 = arith.addf %dot_general3A_7, %add3A : vector<32x2048xf32>
    %get3A_12 = arith.constant 0 : index
    %get3A_13 = arith.constant 0 : index
    %get3A_14 = vector.load %arg4[%get3A_12, %get3A_13] : memref<32x5xf32, #tpu.memory_space<vmem>>, vector<32x1xf32>
    %add3A_15 = vector.broadcast %get3A_14 : vector<32x1xf32> to vector<32x2048xf32>
    %add3A_16 = arith.addf %add3A_11, %add3A_15 : vector<32x2048xf32>
    %get3A_17 = arith.constant 0 : index
    %get3A_18 = arith.constant 0 : index
    %get3A_19 = vector.load %arg2[%get3A_17, %get3A_18] : memref<45x32xf32, #tpu.memory_space<vmem>>, vector<45x32xf32>
    %get3A_20 = arith.constant 1 : index
    %get3A_21 = arith.constant 0 : index
    %get3A_22 = arith.constant 0 : index
    %get3A_23 = vector.load %arg1[%get3A_20, %get3A_21, %get3A_22] : memref<5x45x2048xf32, #tpu.memory_space<vmem>>, vector<1x45x2048xf32>
    %get3A_24 = vector.shape_cast %get3A_23 : vector<1x45x2048xf32> to vector<45x2048xf32>
    %dot_general3A_25 = arith.constant dense<0.000000e+00> : vector<32x2048xf32>
    %dot_general3A_26 = tpu.matmul %get3A_19, %get3A_24, %dot_general3A_25 {dimension_numbers = #tpu.dot_dimension_numbers<[0], [0], [1], [1], [0, 1, 1, 1], [], []>, transpose_lhs_hint = false} : vector<45x32xf32>, vector<45x2048xf32>, vector<32x2048xf32> -> vector<32x2048xf32>
    %get3A_27 = arith.constant 0 : index
    %get3A_28 = arith.constant 0 : index
    %get3A_29 = vector.load %arg3[%get3A_27, %get3A_28] : memref<32x1xf32, #tpu.memory_space<vmem>>, vector<32x1xf32>
    %add3A_30 = vector.broadcast %get3A_29 : vector<32x1xf32> to vector<32x2048xf32>
    %add3A_31 = arith.addf %dot_general3A_26, %add3A_30 : vector<32x2048xf32>
    %get3A_32 = arith.constant 0 : index
    %get3A_33 = arith.constant 1 : index
    %get3A_34 = vector.load %arg4[%get3A_32, %get3A_33] : memref<32x5xf32, #tpu.memory_space<vmem>>, vector<32x1xf32>
    %add3A_35 = vector.broadcast %get3A_34 : vector<32x1xf32> to vector<32x2048xf32>
    %add3A_36 = arith.addf %add3A_31, %add3A_35 : vector<32x2048xf32>
    %get3A_37 = arith.constant 0 : index
    %get3A_38 = arith.constant 0 : index
    %get3A_39 = vector.load %arg2[%get3A_37, %get3A_38] : memref<45x32xf32, #tpu.memory_space<vmem>>, vector<45x32xf32>
    %get3A_40 = arith.constant 2 : index
    %get3A_41 = arith.constant 0 : index
    %get3A_42 = arith.constant 0 : index
    %get3A_43 = vector.load %arg1[%get3A_40, %get3A_41, %get3A_42] : memref<5x45x2048xf32, #tpu.memory_space<vmem>>, vector<1x45x2048xf32>
    %get3A_44 = vector.shape_cast %get3A_43 : vector<1x45x2048xf32> to vector<45x2048xf32>
    %dot_general3A_45 = arith.constant dense<0.000000e+00> : vector<32x2048xf32>
    %dot_general3A_46 = tpu.matmul %get3A_39, %get3A_44, %dot_general3A_45 {dimension_numbers = #tpu.dot_dimension_numbers<[0], [0], [1], [1], [0, 1, 1, 1], [], []>, transpose_lhs_hint = false} : vector<45x32xf32>, vector<45x2048xf32>, vector<32x2048xf32> -> vector<32x2048xf32>
    %get3A_47 = arith.constant 0 : index
    %get3A_48 = arith.constant 0 : index
    %get3A_49 = vector.load %arg3[%get3A_47, %get3A_48] : memref<32x1xf32, #tpu.memory_space<vmem>>, vector<32x1xf32>
    %add3A_50 = vector.broadcast %get3A_49 : vector<32x1xf32> to vector<32x2048xf32>
    %add3A_51 = arith.addf %dot_general3A_46, %add3A_50 : vector<32x2048xf32>
    %get3A_52 = arith.constant 0 : index
    %get3A_53 = arith.constant 2 : index
    %get3A_54 = vector.load %arg4[%get3A_52, %get3A_53] : memref<32x5xf32, #tpu.memory_space<vmem>>, vector<32x1xf32>
    %add3A_55 = vector.broadcast %get3A_54 : vector<32x1xf32> to vector<32x2048xf32>
    %add3A_56 = arith.addf %add3A_51, %add3A_55 : vector<32x2048xf32>
    %get3A_57 = arith.constant 0 : index
    %get3A_58 = arith.constant 0 : index
    %get3A_59 = vector.load %arg2[%get3A_57, %get3A_58] : memref<45x32xf32, #tpu.memory_space<vmem>>, vector<45x32xf32>
    %get3A_60 = arith.constant 3 : index
    %get3A_61 = arith.constant 0 : index
    %get3A_62 = arith.constant 0 : index
    %get3A_63 = vector.load %arg1[%get3A_60, %get3A_61, %get3A_62] : memref<5x45x2048xf32, #tpu.memory_space<vmem>>, vector<1x45x2048xf32>
    %get3A_64 = vector.shape_cast %get3A_63 : vector<1x45x2048xf32> to vector<45x2048xf32>
    %dot_general3A_65 = arith.constant dense<0.000000e+00> : vector<32x2048xf32>
    %dot_general3A_66 = tpu.matmul %get3A_59, %get3A_64, %dot_general3A_65 {dimension_numbers = #tpu.dot_dimension_numbers<[0], [0], [1], [1], [0, 1, 1, 1], [], []>, transpose_lhs_hint = false} : vector<45x32xf32>, vector<45x2048xf32>, vector<32x2048xf32> -> vector<32x2048xf32>
    %get3A_67 = arith.constant 0 : index
    %get3A_68 = arith.constant 0 : index
    %get3A_69 = vector.load %arg3[%get3A_67, %get3A_68] : memref<32x1xf32, #tpu.memory_space<vmem>>, vector<32x1xf32>
    %add3A_70 = vector.broadcast %get3A_69 : vector<32x1xf32> to vector<32x2048xf32>
    %add3A_71 = arith.addf %dot_general3A_66, %add3A_70 : vector<32x2048xf32>
    %get3A_72 = arith.constant 0 : index
    %get3A_73 = arith.constant 3 : index
    %get3A_74 = vector.load %arg4[%get3A_72, %get3A_73] : memref<32x5xf32, #tpu.memory_space<vmem>>, vector<32x1xf32>
    %add3A_75 = vector.broadcast %get3A_74 : vector<32x1xf32> to vector<32x2048xf32>
    %add3A_76 = arith.addf %add3A_71, %add3A_75 : vector<32x2048xf32>
    %get3A_77 = arith.constant 0 : index
    %get3A_78 = arith.constant 0 : index
    %get3A_79 = vector.load %arg2[%get3A_77, %get3A_78] : memref<45x32xf32, #tpu.memory_space<vmem>>, vector<45x32xf32>
    %get3A_80 = arith.constant 4 : index
    %get3A_81 = arith.constant 0 : index
    %get3A_82 = arith.constant 0 : index
    %get3A_83 = vector.load %arg1[%get3A_80, %get3A_81, %get3A_82] : memref<5x45x2048xf32, #tpu.memory_space<vmem>>, vector<1x45x2048xf32>
    %get3A_84 = vector.shape_cast %get3A_83 : vector<1x45x2048xf32> to vector<45x2048xf32>
    %dot_general3A_85 = arith.constant dense<0.000000e+00> : vector<32x2048xf32>
    %dot_general3A_86 = tpu.matmul %get3A_79, %get3A_84, %dot_general3A_85 {dimension_numbers = #tpu.dot_dimension_numbers<[0], [0], [1], [1], [0, 1, 1, 1], [], []>, transpose_lhs_hint = false} : vector<45x32xf32>, vector<45x2048xf32>, vector<32x2048xf32> -> vector<32x2048xf32>
    %get3A_87 = arith.constant 0 : index
    %get3A_88 = arith.constant 0 : index
    %get3A_89 = vector.load %arg3[%get3A_87, %get3A_88] : memref<32x1xf32, #tpu.memory_space<vmem>>, vector<32x1xf32>
    %add3A_90 = vector.broadcast %get3A_89 : vector<32x1xf32> to vector<32x2048xf32>
    %add3A_91 = arith.addf %dot_general3A_86, %add3A_90 : vector<32x2048xf32>
    %get3A_92 = arith.constant 0 : index
    %get3A_93 = arith.constant 4 : index
    %get3A_94 = vector.load %arg4[%get3A_92, %get3A_93] : memref<32x5xf32, #tpu.memory_space<vmem>>, vector<32x1xf32>
    %add3A_95 = vector.broadcast %get3A_94 : vector<32x1xf32> to vector<32x2048xf32>
    %add3A_96 = arith.addf %add3A_91, %add3A_95 : vector<32x2048xf32>
    %sqrt3A = arith.constant 8.000000e+00 : f32
    %sqrt3A_97 = math.sqrt %sqrt3A : f32
    %get3A_98 = arith.constant 0 : index
    %get3A_99 = arith.constant 0 : index
    %get3A_100 = arith.constant 0 : index
    %get3A_101 = vector.load %arg7[%get3A_98, %get3A_99, %get3A_100] : memref<2x32x96xf32, #tpu.memory_space<vmem>>, vector<1x32x96xf32>
    %get3A_102 = vector.shape_cast %get3A_101 : vector<1x32x96xf32> to vector<32x96xf32>
    %get3A_103 = arith.constant 0 : index
    %get3A_104 = arith.constant 0 : index
    %get3A_105 = arith.constant 0 : index
    %get3A_106 = vector.load %arg8[%get3A_103, %get3A_104, %get3A_105] : memref<2x96x1xf32, #tpu.memory_space<vmem>>, vector<1x96x1xf32>
    %get3A_107 = vector.shape_cast %get3A_106 : vector<1x96x1xf32> to vector<96x1xf32>
    %get3A_108 = arith.constant 0 : index
    %get3A_109 = arith.constant 0 : index
    %get3A_110 = arith.constant 0 : index
    %get3A_111 = vector.load %arg5[%get3A_108, %get3A_109, %get3A_110] : memref<2x32x1xf32, #tpu.memory_space<vmem>>, vector<1x32x1xf32>
    %get3A_112 = vector.shape_cast %get3A_111 : vector<1x32x1xf32> to vector<32x1xf32>
    %get3A_113 = arith.constant 0 : index
    %get3A_114 = arith.constant 0 : index
    %get3A_115 = arith.constant 0 : index
    %get3A_116 = vector.load %arg6[%get3A_113, %get3A_114, %get3A_115] : memref<2x32x1xf32, #tpu.memory_space<vmem>>, vector<1x32x1xf32>
    %get3A_117 = vector.shape_cast %get3A_116 : vector<1x32x1xf32> to vector<32x1xf32>
    %reduce_sum3A = arith.constant dense<0.000000e+00> : vector<2048xf32>
    %reduce_sum3A_118 = vector.multi_reduction <add>, %add3A_16, %reduce_sum3A [0] : vector<32x2048xf32> to vector<2048xf32>
    %broadcast_in_dim3A = vector.shape_cast %reduce_sum3A_118 : vector<2048xf32> to vector<1x2048xf32>
    %div3A = arith.constant 3.200000e+01 : f32
    %div3A_119 = vector.broadcast %div3A : f32 to vector<1x2048xf32>
    %div3A_120 = arith.divf %broadcast_in_dim3A, %div3A_119 : vector<1x2048xf32>
    %sub3A = vector.broadcast %div3A_120 : vector<1x2048xf32> to vector<32x2048xf32>
    %sub3A_121 = arith.subf %add3A_16, %sub3A : vector<32x2048xf32>
    %mul3A = arith.mulf %sub3A_121, %sub3A_121 : vector<32x2048xf32>
    %reduce_sum3A_122 = arith.constant dense<0.000000e+00> : vector<2048xf32>
    %reduce_sum3A_123 = vector.multi_reduction <add>, %mul3A, %reduce_sum3A_122 [0] : vector<32x2048xf32> to vector<2048xf32>
    %broadcast_in_dim3A_124 = vector.shape_cast %reduce_sum3A_123 : vector<2048xf32> to vector<1x2048xf32>
    %div3A_125 = arith.constant 3.200000e+01 : f32
    %div3A_126 = vector.broadcast %div3A_125 : f32 to vector<1x2048xf32>
    %div3A_127 = arith.divf %broadcast_in_dim3A_124, %div3A_126 : vector<1x2048xf32>
    %add3A_128 = arith.constant 9.99999974E-6 : f32
    %add3A_129 = vector.broadcast %add3A_128 : f32 to vector<1x2048xf32>
    %add3A_130 = arith.addf %div3A_127, %add3A_129 : vector<1x2048xf32>
    %sqrt3A_131 = math.sqrt %add3A_130 : vector<1x2048xf32>
    %div3A_132 = vector.broadcast %sqrt3A_131 : vector<1x2048xf32> to vector<32x2048xf32>
    %div3A_133 = arith.divf %sub3A_121, %div3A_132 : vector<32x2048xf32>
    %mul3A_134 = vector.broadcast %get3A_112 : vector<32x1xf32> to vector<32x2048xf32>
    %mul3A_135 = arith.mulf %div3A_133, %mul3A_134 : vector<32x2048xf32>
    %add3A_136 = vector.broadcast %get3A_117 : vector<32x1xf32> to vector<32x2048xf32>
    %add3A_137 = arith.addf %mul3A_135, %add3A_136 : vector<32x2048xf32>
    %get3A_138 = arith.constant 0 : index
    %get3A_139 = arith.constant 0 : index
    %get3A_140 = arith.constant 0 : index
    %get3A_141 = vector.load %arg5[%get3A_138, %get3A_139, %get3A_140] : memref<2x32x1xf32, #tpu.memory_space<vmem>>, vector<1x32x1xf32>
    %get3A_142 = vector.shape_cast %get3A_141 : vector<1x32x1xf32> to vector<32x1xf32>
    %get3A_143 = arith.constant 0 : index
    %get3A_144 = arith.constant 0 : index
    %get3A_145 = arith.constant 0 : index
    %get3A_146 = vector.load %arg6[%get3A_143, %get3A_144, %get3A_145] : memref<2x32x1xf32, #tpu.memory_space<vmem>>, vector<1x32x1xf32>
    %get3A_147 = vector.shape_cast %get3A_146 : vector<1x32x1xf32> to vector<32x1xf32>
    %reduce_sum3A_148 = arith.constant dense<0.000000e+00> : vector<2048xf32>
    %reduce_sum3A_149 = vector.multi_reduction <add>, %add3A_36, %reduce_sum3A_148 [0] : vector<32x2048xf32> to vector<2048xf32>
    %broadcast_in_dim3A_150 = vector.shape_cast %reduce_sum3A_149 : vector<2048xf32> to vector<1x2048xf32>
    %div3A_151 = arith.constant 3.200000e+01 : f32
    %div3A_152 = vector.broadcast %div3A_151 : f32 to vector<1x2048xf32>
    %div3A_153 = arith.divf %broadcast_in_dim3A_150, %div3A_152 : vector<1x2048xf32>
    %sub3A_154 = vector.broadcast %div3A_153 : vector<1x2048xf32> to vector<32x2048xf32>
    %sub3A_155 = arith.subf %add3A_36, %sub3A_154 : vector<32x2048xf32>
    %mul3A_156 = arith.mulf %sub3A_155, %sub3A_155 : vector<32x2048xf32>
    %reduce_sum3A_157 = arith.constant dense<0.000000e+00> : vector<2048xf32>
    %reduce_sum3A_158 = vector.multi_reduction <add>, %mul3A_156, %reduce_sum3A_157 [0] : vector<32x2048xf32> to vector<2048xf32>
    %broadcast_in_dim3A_159 = vector.shape_cast %reduce_sum3A_158 : vector<2048xf32> to vector<1x2048xf32>
    %div3A_160 = arith.constant 3.200000e+01 : f32
    %div3A_161 = vector.broadcast %div3A_160 : f32 to vector<1x2048xf32>
    %div3A_162 = arith.divf %broadcast_in_dim3A_159, %div3A_161 : vector<1x2048xf32>
    %add3A_163 = arith.constant 9.99999974E-6 : f32
    %add3A_164 = vector.broadcast %add3A_163 : f32 to vector<1x2048xf32>
    %add3A_165 = arith.addf %div3A_162, %add3A_164 : vector<1x2048xf32>
    %sqrt3A_166 = math.sqrt %add3A_165 : vector<1x2048xf32>
    %div3A_167 = vector.broadcast %sqrt3A_166 : vector<1x2048xf32> to vector<32x2048xf32>
    %div3A_168 = arith.divf %sub3A_155, %div3A_167 : vector<32x2048xf32>
    %mul3A_169 = vector.broadcast %get3A_142 : vector<32x1xf32> to vector<32x2048xf32>
    %mul3A_170 = arith.mulf %div3A_168, %mul3A_169 : vector<32x2048xf32>
    %add3A_171 = vector.broadcast %get3A_147 : vector<32x1xf32> to vector<32x2048xf32>
    %add3A_172 = arith.addf %mul3A_170, %add3A_171 : vector<32x2048xf32>
    %get3A_173 = arith.constant 0 : index
    %get3A_174 = arith.constant 0 : index
    %get3A_175 = arith.constant 0 : index
    %get3A_176 = vector.load %arg5[%get3A_173, %get3A_174, %get3A_175] : memref<2x32x1xf32, #tpu.memory_space<vmem>>, vector<1x32x1xf32>
    %get3A_177 = vector.shape_cast %get3A_176 : vector<1x32x1xf32> to vector<32x1xf32>
    %get3A_178 = arith.constant 0 : index
    %get3A_179 = arith.constant 0 : index
    %get3A_180 = arith.constant 0 : index
    %get3A_181 = vector.load %arg6[%get3A_178, %get3A_179, %get3A_180] : memref<2x32x1xf32, #tpu.memory_space<vmem>>, vector<1x32x1xf32>
    %get3A_182 = vector.shape_cast %get3A_181 : vector<1x32x1xf32> to vector<32x1xf32>
    %reduce_sum3A_183 = arith.constant dense<0.000000e+00> : vector<2048xf32>
    %reduce_sum3A_184 = vector.multi_reduction <add>, %add3A_56, %reduce_sum3A_183 [0] : vector<32x2048xf32> to vector<2048xf32>
    %broadcast_in_dim3A_185 = vector.shape_cast %reduce_sum3A_184 : vector<2048xf32> to vector<1x2048xf32>
    %div3A_186 = arith.constant 3.200000e+01 : f32
    %div3A_187 = vector.broadcast %div3A_186 : f32 to vector<1x2048xf32>
    %div3A_188 = arith.divf %broadcast_in_dim3A_185, %div3A_187 : vector<1x2048xf32>
    %sub3A_189 = vector.broadcast %div3A_188 : vector<1x2048xf32> to vector<32x2048xf32>
    %sub3A_190 = arith.subf %add3A_56, %sub3A_189 : vector<32x2048xf32>
    %mul3A_191 = arith.mulf %sub3A_190, %sub3A_190 : vector<32x2048xf32>
    %reduce_sum3A_192 = arith.constant dense<0.000000e+00> : vector<2048xf32>
    %reduce_sum3A_193 = vector.multi_reduction <add>, %mul3A_191, %reduce_sum3A_192 [0] : vector<32x2048xf32> to vector<2048xf32>
    %broadcast_in_dim3A_194 = vector.shape_cast %reduce_sum3A_193 : vector<2048xf32> to vector<1x2048xf32>
    %div3A_195 = arith.constant 3.200000e+01 : f32
    %div3A_196 = vector.broadcast %div3A_195 : f32 to vector<1x2048xf32>
    %div3A_197 = arith.divf %broadcast_in_dim3A_194, %div3A_196 : vector<1x2048xf32>
    %add3A_198 = arith.constant 9.99999974E-6 : f32
    %add3A_199 = vector.broadcast %add3A_198 : f32 to vector<1x2048xf32>
    %add3A_200 = arith.addf %div3A_197, %add3A_199 : vector<1x2048xf32>
    %sqrt3A_201 = math.sqrt %add3A_200 : vector<1x2048xf32>
    %div3A_202 = vector.broadcast %sqrt3A_201 : vector<1x2048xf32> to vector<32x2048xf32>
    %div3A_203 = arith.divf %sub3A_190, %div3A_202 : vector<32x2048xf32>
    %mul3A_204 = vector.broadcast %get3A_177 : vector<32x1xf32> to vector<32x2048xf32>
    %mul3A_205 = arith.mulf %div3A_203, %mul3A_204 : vector<32x2048xf32>
    %add3A_206 = vector.broadcast %get3A_182 : vector<32x1xf32> to vector<32x2048xf32>
    %add3A_207 = arith.addf %mul3A_205, %add3A_206 : vector<32x2048xf32>
    %get3A_208 = arith.constant 0 : index
    %get3A_209 = arith.constant 0 : index
    %get3A_210 = arith.constant 0 : index
    %get3A_211 = vector.load %arg5[%get3A_208, %get3A_209, %get3A_210] : memref<2x32x1xf32, #tpu.memory_space<vmem>>, vector<1x32x1xf32>
    %get3A_212 = vector.shape_cast %get3A_211 : vector<1x32x1xf32> to vector<32x1xf32>
    %get3A_213 = arith.constant 0 : index
    %get3A_214 = arith.constant 0 : index
    %get3A_215 = arith.constant 0 : index
    %get3A_216 = vector.load %arg6[%get3A_213, %get3A_214, %get3A_215] : memref<2x32x1xf32, #tpu.memory_space<vmem>>, vector<1x32x1xf32>
    %get3A_217 = vector.shape_cast %get3A_216 : vector<1x32x1xf32> to vector<32x1xf32>
    %reduce_sum3A_218 = arith.constant dense<0.000000e+00> : vector<2048xf32>
    %reduce_sum3A_219 = vector.multi_reduction <add>, %add3A_76, %reduce_sum3A_218 [0] : vector<32x2048xf32> to vector<2048xf32>
    %broadcast_in_dim3A_220 = vector.shape_cast %reduce_sum3A_219 : vector<2048xf32> to vector<1x2048xf32>
    %div3A_221 = arith.constant 3.200000e+01 : f32
    %div3A_222 = vector.broadcast %div3A_221 : f32 to vector<1x2048xf32>
    %div3A_223 = arith.divf %broadcast_in_dim3A_220, %div3A_222 : vector<1x2048xf32>
    %sub3A_224 = vector.broadcast %div3A_223 : vector<1x2048xf32> to vector<32x2048xf32>
    %sub3A_225 = arith.subf %add3A_76, %sub3A_224 : vector<32x2048xf32>
    %mul3A_226 = arith.mulf %sub3A_225, %sub3A_225 : vector<32x2048xf32>
    %reduce_sum3A_227 = arith.constant dense<0.000000e+00> : vector<2048xf32>
    %reduce_sum3A_228 = vector.multi_reduction <add>, %mul3A_226, %reduce_sum3A_227 [0] : vector<32x2048xf32> to vector<2048xf32>
    %broadcast_in_dim3A_229 = vector.shape_cast %reduce_sum3A_228 : vector<2048xf32> to vector<1x2048xf32>
    %div3A_230 = arith.constant 3.200000e+01 : f32
    %div3A_231 = vector.broadcast %div3A_230 : f32 to vector<1x2048xf32>
    %div3A_232 = arith.divf %broadcast_in_dim3A_229, %div3A_231 : vector<1x2048xf32>
    %add3A_233 = arith.constant 9.99999974E-6 : f32
    %add3A_234 = vector.broadcast %add3A_233 : f32 to vector<1x2048xf32>
    %add3A_235 = arith.addf %div3A_232, %add3A_234 : vector<1x2048xf32>
    %sqrt3A_236 = math.sqrt %add3A_235 : vector<1x2048xf32>
    %div3A_237 = vector.broadcast %sqrt3A_236 : vector<1x2048xf32> to vector<32x2048xf32>
    %div3A_238 = arith.divf %sub3A_225, %div3A_237 : vector<32x2048xf32>
    %mul3A_239 = vector.broadcast %get3A_212 : vector<32x1xf32> to vector<32x2048xf32>
    %mul3A_240 = arith.mulf %div3A_238, %mul3A_239 : vector<32x2048xf32>
    %add3A_241 = vector.broadcast %get3A_217 : vector<32x1xf32> to vector<32x2048xf32>
    %add3A_242 = arith.addf %mul3A_240, %add3A_241 : vector<32x2048xf32>
    %get3A_243 = arith.constant 0 : index
    %get3A_244 = arith.constant 0 : index
    %get3A_245 = arith.constant 0 : index
    %get3A_246 = vector.load %arg5[%get3A_243, %get3A_244, %get3A_245] : memref<2x32x1xf32, #tpu.memory_space<vmem>>, vector<1x32x1xf32>
    %get3A_247 = vector.shape_cast %get3A_246 : vector<1x32x1xf32> to vector<32x1xf32>
    %get3A_248 = arith.constant 0 : index
    %get3A_249 = arith.constant 0 : index
    %get3A_250 = arith.constant 0 : index
    %get3A_251 = vector.load %arg6[%get3A_248, %get3A_249, %get3A_250] : memref<2x32x1xf32, #tpu.memory_space<vmem>>, vector<1x32x1xf32>
    %get3A_252 = vector.shape_cast %get3A_251 : vector<1x32x1xf32> to vector<32x1xf32>
    %reduce_sum3A_253 = arith.constant dense<0.000000e+00> : vector<2048xf32>
    %reduce_sum3A_254 = vector.multi_reduction <add>, %add3A_96, %reduce_sum3A_253 [0] : vector<32x2048xf32> to vector<2048xf32>
    %broadcast_in_dim3A_255 = vector.shape_cast %reduce_sum3A_254 : vector<2048xf32> to vector<1x2048xf32>
    %div3A_256 = arith.constant 3.200000e+01 : f32
    %div3A_257 = vector.broadcast %div3A_256 : f32 to vector<1x2048xf32>
    %div3A_258 = arith.divf %broadcast_in_dim3A_255, %div3A_257 : vector<1x2048xf32>
    %sub3A_259 = vector.broadcast %div3A_258 : vector<1x2048xf32> to vector<32x2048xf32>
    %sub3A_260 = arith.subf %add3A_96, %sub3A_259 : vector<32x2048xf32>
    %mul3A_261 = arith.mulf %sub3A_260, %sub3A_260 : vector<32x2048xf32>
    %reduce_sum3A_262 = arith.constant dense<0.000000e+00> : vector<2048xf32>
    %reduce_sum3A_263 = vector.multi_reduction <add>, %mul3A_261, %reduce_sum3A_262 [0] : vector<32x2048xf32> to vector<2048xf32>
    %broadcast_in_dim3A_264 = vector.shape_cast %reduce_sum3A_263 : vector<2048xf32> to vector<1x2048xf32>
    %div3A_265 = arith.constant 3.200000e+01 : f32
    %div3A_266 = vector.broadcast %div3A_265 : f32 to vector<1x2048xf32>
    %div3A_267 = arith.divf %broadcast_in_dim3A_264, %div3A_266 : vector<1x2048xf32>
    %add3A_268 = arith.constant 9.99999974E-6 : f32
    %add3A_269 = vector.broadcast %add3A_268 : f32 to vector<1x2048xf32>
    %add3A_270 = arith.addf %div3A_267, %add3A_269 : vector<1x2048xf32>
    %sqrt3A_271 = math.sqrt %add3A_270 : vector<1x2048xf32>
    %div3A_272 = vector.broadcast %sqrt3A_271 : vector<1x2048xf32> to vector<32x2048xf32>
    %div3A_273 = arith.divf %sub3A_260, %div3A_272 : vector<32x2048xf32>
    %mul3A_274 = vector.broadcast %get3A_247 : vector<32x1xf32> to vector<32x2048xf32>
    %mul3A_275 = arith.mulf %div3A_273, %mul3A_274 : vector<32x2048xf32>
    %add3A_276 = vector.broadcast %get3A_252 : vector<32x1xf32> to vector<32x2048xf32>
    %add3A_277 = arith.addf %mul3A_275, %add3A_276 : vector<32x2048xf32>
    %dot_general3A_278 = arith.constant dense<0.000000e+00> : vector<96x2048xf32>
    %dot_general3A_279 = tpu.matmul %get3A_102, %add3A_137, %dot_general3A_278 {dimension_numbers = #tpu.dot_dimension_numbers<[0], [0], [1], [1], [0, 1, 1, 1], [], []>, transpose_lhs_hint = false} : vector<32x96xf32>, vector<32x2048xf32>, vector<96x2048xf32> -> vector<96x2048xf32>
    %add3A_280 = vector.broadcast %get3A_107 : vector<96x1xf32> to vector<96x2048xf32>
    %add3A_281 = arith.addf %dot_general3A_279, %add3A_280 : vector<96x2048xf32>
    %dot_general3A_282 = arith.constant dense<0.000000e+00> : vector<96x2048xf32>
    %dot_general3A_283 = tpu.matmul %get3A_102, %add3A_172, %dot_general3A_282 {dimension_numbers = #tpu.dot_dimension_numbers<[0], [0], [1], [1], [0, 1, 1, 1], [], []>, transpose_lhs_hint = false} : vector<32x96xf32>, vector<32x2048xf32>, vector<96x2048xf32> -> vector<96x2048xf32>
    %add3A_284 = vector.broadcast %get3A_107 : vector<96x1xf32> to vector<96x2048xf32>
    %add3A_285 = arith.addf %dot_general3A_283, %add3A_284 : vector<96x2048xf32>
    %dot_general3A_286 = arith.constant dense<0.000000e+00> : vector<96x2048xf32>
    %dot_general3A_287 = tpu.matmul %get3A_102, %add3A_207, %dot_general3A_286 {dimension_numbers = #tpu.dot_dimension_numbers<[0], [0], [1], [1], [0, 1, 1, 1], [], []>, transpose_lhs_hint = false} : vector<32x96xf32>, vector<32x2048xf32>, vector<96x2048xf32> -> vector<96x2048xf32>
    %add3A_288 = vector.broadcast %get3A_107 : vector<96x1xf32> to vector<96x2048xf32>
    %add3A_289 = arith.addf %dot_general3A_287, %add3A_288 : vector<96x2048xf32>
    %dot_general3A_290 = arith.constant dense<0.000000e+00> : vector<96x2048xf32>
    %dot_general3A_291 = tpu.matmul %get3A_102, %add3A_242, %dot_general3A_290 {dimension_numbers = #tpu.dot_dimension_numbers<[0], [0], [1], [1], [0, 1, 1, 1], [], []>, transpose_lhs_hint = false} : vector<32x96xf32>, vector<32x2048xf32>, vector<96x2048xf32> -> vector<96x2048xf32>
    %add3A_292 = vector.broadcast %get3A_107 : vector<96x1xf32> to vector<96x2048xf32>
    %add3A_293 = arith.addf %dot_general3A_291, %add3A_292 : vector<96x2048xf32>
    %dot_general3A_294 = arith.constant dense<0.000000e+00> : vector<96x2048xf32>
    %dot_general3A_295 = tpu.matmul %get3A_102, %add3A_277, %dot_general3A_294 {dimension_numbers = #tpu.dot_dimension_numbers<[0], [0], [1], [1], [0, 1, 1, 1], [], []>, transpose_lhs_hint = false} : vector<32x96xf32>, vector<32x2048xf32>, vector<96x2048xf32> -> vector<96x2048xf32>
    %add3A_296 = vector.broadcast %get3A_107 : vector<96x1xf32> to vector<96x2048xf32>
    %add3A_297 = arith.addf %dot_general3A_295, %add3A_296 : vector<96x2048xf32>
    %slice3A = vector.extract_strided_slice %add3A_281 {offsets = [0, 0], sizes = [32, 2048], strides = [1, 1]} : vector<96x2048xf32> to vector<32x2048xf32>
    %convert_element_type3A = arith.truncf %slice3A : vector<32x2048xf32> to vector<32x2048xbf16>
    %convert_element_type3A_298 = arith.extf %convert_element_type3A : vector<32x2048xbf16> to vector<32x2048xf32>
    %slice3A_299 = vector.extract_strided_slice %add3A_285 {offsets = [0, 0], sizes = [32, 2048], strides = [1, 1]} : vector<96x2048xf32> to vector<32x2048xf32>
    %convert_element_type3A_300 = arith.truncf %slice3A_299 : vector<32x2048xf32> to vector<32x2048xbf16>
    %convert_element_type3A_301 = arith.extf %convert_element_type3A_300 : vector<32x2048xbf16> to vector<32x2048xf32>
    %slice3A_302 = vector.extract_strided_slice %add3A_289 {offsets = [0, 0], sizes = [32, 2048], strides = [1, 1]} : vector<96x2048xf32> to vector<32x2048xf32>
    %convert_element_type3A_303 = arith.truncf %slice3A_302 : vector<32x2048xf32> to vector<32x2048xbf16>
    %convert_element_type3A_304 = arith.extf %convert_element_type3A_303 : vector<32x2048xbf16> to vector<32x2048xf32>
    %slice3A_305 = vector.extract_strided_slice %add3A_293 {offsets = [0, 0], sizes = [32, 2048], strides = [1, 1]} : vector<96x2048xf32> to vector<32x2048xf32>
    %convert_element_type3A_306 = arith.truncf %slice3A_305 : vector<32x2048xf32> to vector<32x2048xbf16>
    %convert_element_type3A_307 = arith.extf %convert_element_type3A_306 : vector<32x2048xbf16> to vector<32x2048xf32>
    %slice3A_308 = vector.extract_strided_slice %add3A_297 {offsets = [0, 0], sizes = [32, 2048], strides = [1, 1]} : vector<96x2048xf32> to vector<32x2048xf32>
    %convert_element_type3A_309 = arith.truncf %slice3A_308 : vector<32x2048xf32> to vector<32x2048xbf16>
    %convert_element_type3A_310 = arith.extf %convert_element_type3A_309 : vector<32x2048xbf16> to vector<32x2048xf32>
    %slice3A_311 = vector.extract_strided_slice %add3A_281 {offsets = [32, 0], sizes = [32, 2048], strides = [1, 1]} : vector<96x2048xf32> to vector<32x2048xf32>
    %convert_element_type3A_312 = arith.truncf %slice3A_311 : vector<32x2048xf32> to vector<32x2048xbf16>
    %convert_element_type3A_313 = arith.extf %convert_element_type3A_312 : vector<32x2048xbf16> to vector<32x2048xf32>
    %slice3A_314 = vector.extract_strided_slice %add3A_285 {offsets = [32, 0], sizes = [32, 2048], strides = [1, 1]} : vector<96x2048xf32> to vector<32x2048xf32>
    %convert_element_type3A_315 = arith.truncf %slice3A_314 : vector<32x2048xf32> to vector<32x2048xbf16>
    %convert_element_type3A_316 = arith.extf %convert_element_type3A_315 : vector<32x2048xbf16> to vector<32x2048xf32>
    %slice3A_317 = vector.extract_strided_slice %add3A_289 {offsets = [32, 0], sizes = [32, 2048], strides = [1, 1]} : vector<96x2048xf32> to vector<32x2048xf32>
    %convert_element_type3A_318 = arith.truncf %slice3A_317 : vector<32x2048xf32> to vector<32x2048xbf16>
    %convert_element_type3A_319 = arith.extf %convert_element_type3A_318 : vector<32x2048xbf16> to vector<32x2048xf32>
    %slice3A_320 = vector.extract_strided_slice %add3A_293 {offsets = [32, 0], sizes = [32, 2048], strides = [1, 1]} : vector<96x2048xf32> to vector<32x2048xf32>
    %convert_element_type3A_321 = arith.truncf %slice3A_320 : vector<32x2048xf32> to vector<32x2048xbf16>
    %convert_element_type3A_322 = arith.extf %convert_element_type3A_321 : vector<32x2048xbf16> to vector<32x2048xf32>
    %slice3A_323 = vector.extract_strided_slice %add3A_297 {offsets = [32, 0], sizes = [32, 2048], strides = [1, 1]} : vector<96x2048xf32> to vector<32x2048xf32>
    %convert_element_type3A_324 = arith.truncf %slice3A_323 : vector<32x2048xf32> to vector<32x2048xbf16>
    %convert_element_type3A_325 = arith.extf %convert_element_type3A_324 : vector<32x2048xbf16> to vector<32x2048xf32>
    %slice3A_326 = vector.extract_strided_slice %add3A_281 {offsets = [64, 0], sizes = [32, 2048], strides = [1, 1]} : vector<96x2048xf32> to vector<32x2048xf32>
    %convert_element_type3A_327 = arith.truncf %slice3A_326 : vector<32x2048xf32> to vector<32x2048xbf16>
    %convert_element_type3A_328 = arith.extf %convert_element_type3A_327 : vector<32x2048xbf16> to vector<32x2048xf32>
    %slice3A_329 = vector.extract_strided_slice %add3A_285 {offsets = [64, 0], sizes = [32, 2048], strides = [1, 1]} : vector<96x2048xf32> to vector<32x2048xf32>
    %convert_element_type3A_330 = arith.truncf %slice3A_329 : vector<32x2048xf32> to vector<32x2048xbf16>
    %convert_element_type3A_331 = arith.extf %convert_element_type3A_330 : vector<32x2048xbf16> to vector<32x2048xf32>
    %slice3A_332 = vector.extract_strided_slice %add3A_289 {offsets = [64, 0], sizes = [32, 2048], strides = [1, 1]} : vector<96x2048xf32> to vector<32x2048xf32>
    %convert_element_type3A_333 = arith.truncf %slice3A_332 : vector<32x2048xf32> to vector<32x2048xbf16>
    %convert_element_type3A_334 = arith.extf %convert_element_type3A_333 : vector<32x2048xbf16> to vector<32x2048xf32>
    %slice3A_335 = vector.extract_strided_slice %add3A_293 {offsets = [64, 0], sizes = [32, 2048], strides = [1, 1]} : vector<96x2048xf32> to vector<32x2048xf32>
    %convert_element_type3A_336 = arith.truncf %slice3A_335 : vector<32x2048xf32> to vector<32x2048xbf16>
    %convert_element_type3A_337 = arith.extf %convert_element_type3A_336 : vector<32x2048xbf16> to vector<32x2048xf32>
    %slice3A_338 = vector.extract_strided_slice %add3A_297 {offsets = [64, 0], sizes = [32, 2048], strides = [1, 1]} : vector<96x2048xf32> to vector<32x2048xf32>
    %convert_element_type3A_339 = arith.truncf %slice3A_338 : vector<32x2048xf32> to vector<32x2048xbf16>
    %convert_element_type3A_340 = arith.extf %convert_element_type3A_339 : vector<32x2048xbf16> to vector<32x2048xf32>
    %mul3A_341 = arith.mulf %convert_element_type3A_298, %convert_element_type3A_313 : vector<32x2048xf32>
    %reshape3A = vector.shape_cast %mul3A_341 : vector<32x2048xf32> to vector<16x2x2048xf32>
    %reduce_sum3A_342 = arith.constant dense<0.000000e+00> : vector<16x2048xf32>
    %reduce_sum3A_343 = vector.multi_reduction <add>, %reshape3A, %reduce_sum3A_342 [1] : vector<16x2x2048xf32> to vector<16x2048xf32>
    %reshape3A_344 = vector.shape_cast %reduce_sum3A_343 : vector<16x2048xf32> to vector<8x2x2048xf32>
    %reduce_sum3A_345 = arith.constant dense<0.000000e+00> : vector<8x2048xf32>
    %reduce_sum3A_346 = vector.multi_reduction <add>, %reshape3A_344, %reduce_sum3A_345 [1] : vector<8x2x2048xf32> to vector<8x2048xf32>
    %reshape3A_347 = vector.shape_cast %reduce_sum3A_346 : vector<8x2048xf32> to vector<4x2x2048xf32>
    %reduce_sum3A_348 = arith.constant dense<0.000000e+00> : vector<4x2048xf32>
    %reduce_sum3A_349 = vector.multi_reduction <add>, %reshape3A_347, %reduce_sum3A_348 [1] : vector<4x2x2048xf32> to vector<4x2048xf32>
    %div3A_350 = vector.broadcast %sqrt3A_97 : f32 to vector<4x2048xf32>
    %div3A_351 = arith.divf %reduce_sum3A_349, %div3A_350 : vector<4x2048xf32>
    %sub3A_352 = arith.subf %div3A_351, %div3A_351 : vector<4x2048xf32>
    %exp3A = math.exp %sub3A_352 : vector<4x2048xf32>
    %div3A_353 = arith.divf %exp3A, %exp3A : vector<4x2048xf32>
    %convert_element_type3A_354 = arith.truncf %div3A_353 : vector<4x2048xf32> to vector<4x2048xbf16>
    %convert_element_type3A_355 = arith.extf %convert_element_type3A_354 : vector<4x2048xbf16> to vector<4x2048xf32>
    %broadcast_in_dim3A_356 = vector.shape_cast %convert_element_type3A_355 : vector<4x2048xf32> to vector<4x1x2048xf32>
    %broadcast_in_dim3A_357 = vector.shape_cast %broadcast_in_dim3A_356 : vector<4x1x2048xf32> to vector<4x1x2048xf32>
    %broadcast_in_dim3A_358 = vector.broadcast %broadcast_in_dim3A_357 : vector<4x1x2048xf32> to vector<4x8x2048xf32>
    %reshape3A_359 = vector.shape_cast %broadcast_in_dim3A_358 : vector<4x8x2048xf32> to vector<32x2048xf32>
    %mul3A_360 = arith.mulf %reshape3A_359, %convert_element_type3A_328 : vector<32x2048xf32>
    %mul3A_361 = arith.mulf %convert_element_type3A_301, %convert_element_type3A_313 : vector<32x2048xf32>
    %reshape3A_362 = vector.shape_cast %mul3A_361 : vector<32x2048xf32> to vector<16x2x2048xf32>
    %reduce_sum3A_363 = arith.constant dense<0.000000e+00> : vector<16x2048xf32>
    %reduce_sum3A_364 = vector.multi_reduction <add>, %reshape3A_362, %reduce_sum3A_363 [1] : vector<16x2x2048xf32> to vector<16x2048xf32>
    %reshape3A_365 = vector.shape_cast %reduce_sum3A_364 : vector<16x2048xf32> to vector<8x2x2048xf32>
    %reduce_sum3A_366 = arith.constant dense<0.000000e+00> : vector<8x2048xf32>
    %reduce_sum3A_367 = vector.multi_reduction <add>, %reshape3A_365, %reduce_sum3A_366 [1] : vector<8x2x2048xf32> to vector<8x2048xf32>
    %reshape3A_368 = vector.shape_cast %reduce_sum3A_367 : vector<8x2048xf32> to vector<4x2x2048xf32>
    %reduce_sum3A_369 = arith.constant dense<0.000000e+00> : vector<4x2048xf32>
    %reduce_sum3A_370 = vector.multi_reduction <add>, %reshape3A_368, %reduce_sum3A_369 [1] : vector<4x2x2048xf32> to vector<4x2048xf32>
    %div3A_371 = vector.broadcast %sqrt3A_97 : f32 to vector<4x2048xf32>
    %div3A_372 = arith.divf %reduce_sum3A_370, %div3A_371 : vector<4x2048xf32>
    %mul3A_373 = arith.mulf %convert_element_type3A_301, %convert_element_type3A_316 : vector<32x2048xf32>
    %reshape3A_374 = vector.shape_cast %mul3A_373 : vector<32x2048xf32> to vector<16x2x2048xf32>
    %reduce_sum3A_375 = arith.constant dense<0.000000e+00> : vector<16x2048xf32>
    %reduce_sum3A_376 = vector.multi_reduction <add>, %reshape3A_374, %reduce_sum3A_375 [1] : vector<16x2x2048xf32> to vector<16x2048xf32>
    %reshape3A_377 = vector.shape_cast %reduce_sum3A_376 : vector<16x2048xf32> to vector<8x2x2048xf32>
    %reduce_sum3A_378 = arith.constant dense<0.000000e+00> : vector<8x2048xf32>
    %reduce_sum3A_379 = vector.multi_reduction <add>, %reshape3A_377, %reduce_sum3A_378 [1] : vector<8x2x2048xf32> to vector<8x2048xf32>
    %reshape3A_380 = vector.shape_cast %reduce_sum3A_379 : vector<8x2048xf32> to vector<4x2x2048xf32>
    %reduce_sum3A_381 = arith.constant dense<0.000000e+00> : vector<4x2048xf32>
    %reduce_sum3A_382 = vector.multi_reduction <add>, %reshape3A_380, %reduce_sum3A_381 [1] : vector<4x2x2048xf32> to vector<4x2048xf32>
    %div3A_383 = vector.broadcast %sqrt3A_97 : f32 to vector<4x2048xf32>
    %div3A_384 = arith.divf %reduce_sum3A_382, %div3A_383 : vector<4x2048xf32>
    %max3A = arith.maximumf %div3A_372, %div3A_384 : vector<4x2048xf32>
    %sub3A_385 = arith.subf %div3A_372, %max3A : vector<4x2048xf32>
    %exp3A_386 = math.exp %sub3A_385 : vector<4x2048xf32>
    %sub3A_387 = arith.subf %div3A_384, %max3A : vector<4x2048xf32>
    %exp3A_388 = math.exp %sub3A_387 : vector<4x2048xf32>
    %add3A_389 = arith.addf %exp3A_386, %exp3A_388 : vector<4x2048xf32>
    %div3A_390 = arith.divf %exp3A_386, %add3A_389 : vector<4x2048xf32>
    %convert_element_type3A_391 = arith.truncf %div3A_390 : vector<4x2048xf32> to vector<4x2048xbf16>
    %convert_element_type3A_392 = arith.extf %convert_element_type3A_391 : vector<4x2048xbf16> to vector<4x2048xf32>
    %broadcast_in_dim3A_393 = vector.shape_cast %convert_element_type3A_392 : vector<4x2048xf32> to vector<4x1x2048xf32>
    %broadcast_in_dim3A_394 = vector.shape_cast %broadcast_in_dim3A_393 : vector<4x1x2048xf32> to vector<4x1x2048xf32>
    %broadcast_in_dim3A_395 = vector.broadcast %broadcast_in_dim3A_394 : vector<4x1x2048xf32> to vector<4x8x2048xf32>
    %reshape3A_396 = vector.shape_cast %broadcast_in_dim3A_395 : vector<4x8x2048xf32> to vector<32x2048xf32>
    %mul3A_397 = arith.mulf %reshape3A_396, %convert_element_type3A_328 : vector<32x2048xf32>
    %div3A_398 = arith.divf %exp3A_388, %add3A_389 : vector<4x2048xf32>
    %convert_element_type3A_399 = arith.truncf %div3A_398 : vector<4x2048xf32> to vector<4x2048xbf16>
    %convert_element_type3A_400 = arith.extf %convert_element_type3A_399 : vector<4x2048xbf16> to vector<4x2048xf32>
    %broadcast_in_dim3A_401 = vector.shape_cast %convert_element_type3A_400 : vector<4x2048xf32> to vector<4x1x2048xf32>
    %broadcast_in_dim3A_402 = vector.shape_cast %broadcast_in_dim3A_401 : vector<4x1x2048xf32> to vector<4x1x2048xf32>
    %broadcast_in_dim3A_403 = vector.broadcast %broadcast_in_dim3A_402 : vector<4x1x2048xf32> to vector<4x8x2048xf32>
    %reshape3A_404 = vector.shape_cast %broadcast_in_dim3A_403 : vector<4x8x2048xf32> to vector<32x2048xf32>
    %mul3A_405 = arith.mulf %reshape3A_404, %convert_element_type3A_331 : vector<32x2048xf32>
    %add3A_406 = arith.addf %mul3A_397, %mul3A_405 : vector<32x2048xf32>
    %mul3A_407 = arith.mulf %convert_element_type3A_304, %convert_element_type3A_313 : vector<32x2048xf32>
    %reshape3A_408 = vector.shape_cast %mul3A_407 : vector<32x2048xf32> to vector<16x2x2048xf32>
    %reduce_sum3A_409 = arith.constant dense<0.000000e+00> : vector<16x2048xf32>
    %reduce_sum3A_410 = vector.multi_reduction <add>, %reshape3A_408, %reduce_sum3A_409 [1] : vector<16x2x2048xf32> to vector<16x2048xf32>
    %reshape3A_411 = vector.shape_cast %reduce_sum3A_410 : vector<16x2048xf32> to vector<8x2x2048xf32>
    %reduce_sum3A_412 = arith.constant dense<0.000000e+00> : vector<8x2048xf32>
    %reduce_sum3A_413 = vector.multi_reduction <add>, %reshape3A_411, %reduce_sum3A_412 [1] : vector<8x2x2048xf32> to vector<8x2048xf32>
    %reshape3A_414 = vector.shape_cast %reduce_sum3A_413 : vector<8x2048xf32> to vector<4x2x2048xf32>
    %reduce_sum3A_415 = arith.constant dense<0.000000e+00> : vector<4x2048xf32>
    %reduce_sum3A_416 = vector.multi_reduction <add>, %reshape3A_414, %reduce_sum3A_415 [1] : vector<4x2x2048xf32> to vector<4x2048xf32>
    %div3A_417 = vector.broadcast %sqrt3A_97 : f32 to vector<4x2048xf32>
    %div3A_418 = arith.divf %reduce_sum3A_416, %div3A_417 : vector<4x2048xf32>
    %mul3A_419 = arith.mulf %convert_element_type3A_304, %convert_element_type3A_316 : vector<32x2048xf32>
    %reshape3A_420 = vector.shape_cast %mul3A_419 : vector<32x2048xf32> to vector<16x2x2048xf32>
    %reduce_sum3A_421 = arith.constant dense<0.000000e+00> : vector<16x2048xf32>
    %reduce_sum3A_422 = vector.multi_reduction <add>, %reshape3A_420, %reduce_sum3A_421 [1] : vector<16x2x2048xf32> to vector<16x2048xf32>
    %reshape3A_423 = vector.shape_cast %reduce_sum3A_422 : vector<16x2048xf32> to vector<8x2x2048xf32>
    %reduce_sum3A_424 = arith.constant dense<0.000000e+00> : vector<8x2048xf32>
    %reduce_sum3A_425 = vector.multi_reduction <add>, %reshape3A_423, %reduce_sum3A_424 [1] : vector<8x2x2048xf32> to vector<8x2048xf32>
    %reshape3A_426 = vector.shape_cast %reduce_sum3A_425 : vector<8x2048xf32> to vector<4x2x2048xf32>
    %reduce_sum3A_427 = arith.constant dense<0.000000e+00> : vector<4x2048xf32>
    %reduce_sum3A_428 = vector.multi_reduction <add>, %reshape3A_426, %reduce_sum3A_427 [1] : vector<4x2x2048xf32> to vector<4x2048xf32>
    %div3A_429 = vector.broadcast %sqrt3A_97 : f32 to vector<4x2048xf32>
    %div3A_430 = arith.divf %reduce_sum3A_428, %div3A_429 : vector<4x2048xf32>
    %mul3A_431 = arith.mulf %convert_element_type3A_304, %convert_element_type3A_319 : vector<32x2048xf32>
    %reshape3A_432 = vector.shape_cast %mul3A_431 : vector<32x2048xf32> to vector<16x2x2048xf32>
    %reduce_sum3A_433 = arith.constant dense<0.000000e+00> : vector<16x2048xf32>
    %reduce_sum3A_434 = vector.multi_reduction <add>, %reshape3A_432, %reduce_sum3A_433 [1] : vector<16x2x2048xf32> to vector<16x2048xf32>
    %reshape3A_435 = vector.shape_cast %reduce_sum3A_434 : vector<16x2048xf32> to vector<8x2x2048xf32>
    %reduce_sum3A_436 = arith.constant dense<0.000000e+00> : vector<8x2048xf32>
    %reduce_sum3A_437 = vector.multi_reduction <add>, %reshape3A_435, %reduce_sum3A_436 [1] : vector<8x2x2048xf32> to vector<8x2048xf32>
    %reshape3A_438 = vector.shape_cast %reduce_sum3A_437 : vector<8x2048xf32> to vector<4x2x2048xf32>
    %reduce_sum3A_439 = arith.constant dense<0.000000e+00> : vector<4x2048xf32>
    %reduce_sum3A_440 = vector.multi_reduction <add>, %reshape3A_438, %reduce_sum3A_439 [1] : vector<4x2x2048xf32> to vector<4x2048xf32>
    %div3A_441 = vector.broadcast %sqrt3A_97 : f32 to vector<4x2048xf32>
    %div3A_442 = arith.divf %reduce_sum3A_440, %div3A_441 : vector<4x2048xf32>
    %max3A_443 = arith.maximumf %div3A_418, %div3A_430 : vector<4x2048xf32>
    %max3A_444 = arith.maximumf %max3A_443, %div3A_442 : vector<4x2048xf32>
    %sub3A_445 = arith.subf %div3A_418, %max3A_444 : vector<4x2048xf32>
    %exp3A_446 = math.exp %sub3A_445 : vector<4x2048xf32>
    %sub3A_447 = arith.subf %div3A_430, %max3A_444 : vector<4x2048xf32>
    %exp3A_448 = math.exp %sub3A_447 : vector<4x2048xf32>
    %sub3A_449 = arith.subf %div3A_442, %max3A_444 : vector<4x2048xf32>
    %exp3A_450 = math.exp %sub3A_449 : vector<4x2048xf32>
    %add3A_451 = arith.addf %exp3A_446, %exp3A_450 : vector<4x2048xf32>
    %add3A_452 = arith.addf %add3A_451, %exp3A_448 : vector<4x2048xf32>
    %div3A_453 = arith.divf %exp3A_446, %add3A_452 : vector<4x2048xf32>
    %convert_element_type3A_454 = arith.truncf %div3A_453 : vector<4x2048xf32> to vector<4x2048xbf16>
    %convert_element_type3A_455 = arith.extf %convert_element_type3A_454 : vector<4x2048xbf16> to vector<4x2048xf32>
    %broadcast_in_dim3A_456 = vector.shape_cast %convert_element_type3A_455 : vector<4x2048xf32> to vector<4x1x2048xf32>
    %broadcast_in_dim3A_457 = vector.shape_cast %broadcast_in_dim3A_456 : vector<4x1x2048xf32> to vector<4x1x2048xf32>
    %broadcast_in_dim3A_458 = vector.broadcast %broadcast_in_dim3A_457 : vector<4x1x2048xf32> to vector<4x8x2048xf32>
    %reshape3A_459 = vector.shape_cast %broadcast_in_dim3A_458 : vector<4x8x2048xf32> to vector<32x2048xf32>
    %mul3A_460 = arith.mulf %reshape3A_459, %convert_element_type3A_328 : vector<32x2048xf32>
    %div3A_461 = arith.divf %exp3A_448, %add3A_452 : vector<4x2048xf32>
    %convert_element_type3A_462 = arith.truncf %div3A_461 : vector<4x2048xf32> to vector<4x2048xbf16>
    %convert_element_type3A_463 = arith.extf %convert_element_type3A_462 : vector<4x2048xbf16> to vector<4x2048xf32>
    %broadcast_in_dim3A_464 = vector.shape_cast %convert_element_type3A_463 : vector<4x2048xf32> to vector<4x1x2048xf32>
    %broadcast_in_dim3A_465 = vector.shape_cast %broadcast_in_dim3A_464 : vector<4x1x2048xf32> to vector<4x1x2048xf32>
    %broadcast_in_dim3A_466 = vector.broadcast %broadcast_in_dim3A_465 : vector<4x1x2048xf32> to vector<4x8x2048xf32>
    %reshape3A_467 = vector.shape_cast %broadcast_in_dim3A_466 : vector<4x8x2048xf32> to vector<32x2048xf32>
    %mul3A_468 = arith.mulf %reshape3A_467, %convert_element_type3A_331 : vector<32x2048xf32>
    %div3A_469 = arith.divf %exp3A_450, %add3A_452 : vector<4x2048xf32>
    %convert_element_type3A_470 = arith.truncf %div3A_469 : vector<4x2048xf32> to vector<4x2048xbf16>
    %convert_element_type3A_471 = arith.extf %convert_element_type3A_470 : vector<4x2048xbf16> to vector<4x2048xf32>
    %broadcast_in_dim3A_472 = vector.shape_cast %convert_element_type3A_471 : vector<4x2048xf32> to vector<4x1x2048xf32>
    %broadcast_in_dim3A_473 = vector.shape_cast %broadcast_in_dim3A_472 : vector<4x1x2048xf32> to vector<4x1x2048xf32>
    %broadcast_in_dim3A_474 = vector.broadcast %broadcast_in_dim3A_473 : vector<4x1x2048xf32> to vector<4x8x2048xf32>
    %reshape3A_475 = vector.shape_cast %broadcast_in_dim3A_474 : vector<4x8x2048xf32> to vector<32x2048xf32>
    %mul3A_476 = arith.mulf %reshape3A_475, %convert_element_type3A_334 : vector<32x2048xf32>
    %add3A_477 = arith.addf %mul3A_460, %mul3A_476 : vector<32x2048xf32>
    %add3A_478 = arith.addf %add3A_477, %mul3A_468 : vector<32x2048xf32>
    %mul3A_479 = arith.mulf %convert_element_type3A_307, %convert_element_type3A_313 : vector<32x2048xf32>
    %reshape3A_480 = vector.shape_cast %mul3A_479 : vector<32x2048xf32> to vector<16x2x2048xf32>
    %reduce_sum3A_481 = arith.constant dense<0.000000e+00> : vector<16x2048xf32>
    %reduce_sum3A_482 = vector.multi_reduction <add>, %reshape3A_480, %reduce_sum3A_481 [1] : vector<16x2x2048xf32> to vector<16x2048xf32>
    %reshape3A_483 = vector.shape_cast %reduce_sum3A_482 : vector<16x2048xf32> to vector<8x2x2048xf32>
    %reduce_sum3A_484 = arith.constant dense<0.000000e+00> : vector<8x2048xf32>
    %reduce_sum3A_485 = vector.multi_reduction <add>, %reshape3A_483, %reduce_sum3A_484 [1] : vector<8x2x2048xf32> to vector<8x2048xf32>
    %reshape3A_486 = vector.shape_cast %reduce_sum3A_485 : vector<8x2048xf32> to vector<4x2x2048xf32>
    %reduce_sum3A_487 = arith.constant dense<0.000000e+00> : vector<4x2048xf32>
    %reduce_sum3A_488 = vector.multi_reduction <add>, %reshape3A_486, %reduce_sum3A_487 [1] : vector<4x2x2048xf32> to vector<4x2048xf32>
    %div3A_489 = vector.broadcast %sqrt3A_97 : f32 to vector<4x2048xf32>
    %div3A_490 = arith.divf %reduce_sum3A_488, %div3A_489 : vector<4x2048xf32>
    %mul3A_491 = arith.mulf %convert_element_type3A_307, %convert_element_type3A_316 : vector<32x2048xf32>
    %reshape3A_492 = vector.shape_cast %mul3A_491 : vector<32x2048xf32> to vector<16x2x2048xf32>
    %reduce_sum3A_493 = arith.constant dense<0.000000e+00> : vector<16x2048xf32>
    %reduce_sum3A_494 = vector.multi_reduction <add>, %reshape3A_492, %reduce_sum3A_493 [1] : vector<16x2x2048xf32> to vector<16x2048xf32>
    %reshape3A_495 = vector.shape_cast %reduce_sum3A_494 : vector<16x2048xf32> to vector<8x2x2048xf32>
    %reduce_sum3A_496 = arith.constant dense<0.000000e+00> : vector<8x2048xf32>
    %reduce_sum3A_497 = vector.multi_reduction <add>, %reshape3A_495, %reduce_sum3A_496 [1] : vector<8x2x2048xf32> to vector<8x2048xf32>
    %reshape3A_498 = vector.shape_cast %reduce_sum3A_497 : vector<8x2048xf32> to vector<4x2x2048xf32>
    %reduce_sum3A_499 = arith.constant dense<0.000000e+00> : vector<4x2048xf32>
    %reduce_sum3A_500 = vector.multi_reduction <add>, %reshape3A_498, %reduce_sum3A_499 [1] : vector<4x2x2048xf32> to vector<4x2048xf32>
    %div3A_501 = vector.broadcast %sqrt3A_97 : f32 to vector<4x2048xf32>
    %div3A_502 = arith.divf %reduce_sum3A_500, %div3A_501 : vector<4x2048xf32>
    %mul3A_503 = arith.mulf %convert_element_type3A_307, %convert_element_type3A_319 : vector<32x2048xf32>
    %reshape3A_504 = vector.shape_cast %mul3A_503 : vector<32x2048xf32> to vector<16x2x2048xf32>
    %reduce_sum3A_505 = arith.constant dense<0.000000e+00> : vector<16x2048xf32>
    %reduce_sum3A_506 = vector.multi_reduction <add>, %reshape3A_504, %reduce_sum3A_505 [1] : vector<16x2x2048xf32> to vector<16x2048xf32>
    %reshape3A_507 = vector.shape_cast %reduce_sum3A_506 : vector<16x2048xf32> to vector<8x2x2048xf32>
    %reduce_sum3A_508 = arith.constant dense<0.000000e+00> : vector<8x2048xf32>
    %reduce_sum3A_509 = vector.multi_reduction <add>, %reshape3A_507, %reduce_sum3A_508 [1] : vector<8x2x2048xf32> to vector<8x2048xf32>
    %reshape3A_510 = vector.shape_cast %reduce_sum3A_509 : vector<8x2048xf32> to vector<4x2x2048xf32>
    %reduce_sum3A_511 = arith.constant dense<0.000000e+00> : vector<4x2048xf32>
    %reduce_sum3A_512 = vector.multi_reduction <add>, %reshape3A_510, %reduce_sum3A_511 [1] : vector<4x2x2048xf32> to vector<4x2048xf32>
    %div3A_513 = vector.broadcast %sqrt3A_97 : f32 to vector<4x2048xf32>
    %div3A_514 = arith.divf %reduce_sum3A_512, %div3A_513 : vector<4x2048xf32>
    %mul3A_515 = arith.mulf %convert_element_type3A_307, %convert_element_type3A_322 : vector<32x2048xf32>
    %reshape3A_516 = vector.shape_cast %mul3A_515 : vector<32x2048xf32> to vector<16x2x2048xf32>
    %reduce_sum3A_517 = arith.constant dense<0.000000e+00> : vector<16x2048xf32>
    %reduce_sum3A_518 = vector.multi_reduction <add>, %reshape3A_516, %reduce_sum3A_517 [1] : vector<16x2x2048xf32> to vector<16x2048xf32>
    %reshape3A_519 = vector.shape_cast %reduce_sum3A_518 : vector<16x2048xf32> to vector<8x2x2048xf32>
    %reduce_sum3A_520 = arith.constant dense<0.000000e+00> : vector<8x2048xf32>
    %reduce_sum3A_521 = vector.multi_reduction <add>, %reshape3A_519, %reduce_sum3A_520 [1] : vector<8x2x2048xf32> to vector<8x2048xf32>
    %reshape3A_522 = vector.shape_cast %reduce_sum3A_521 : vector<8x2048xf32> to vector<4x2x2048xf32>
    %reduce_sum3A_523 = arith.constant dense<0.000000e+00> : vector<4x2048xf32>
    %reduce_sum3A_524 = vector.multi_reduction <add>, %reshape3A_522, %reduce_sum3A_523 [1] : vector<4x2x2048xf32> to vector<4x2048xf32>
    %div3A_525 = vector.broadcast %sqrt3A_97 : f32 to vector<4x2048xf32>
    %div3A_526 = arith.divf %reduce_sum3A_524, %div3A_525 : vector<4x2048xf32>
    %max3A_527 = arith.maximumf %div3A_490, %div3A_502 : vector<4x2048xf32>
    %max3A_528 = arith.maximumf %max3A_527, %div3A_514 : vector<4x2048xf32>
    %max3A_529 = arith.maximumf %max3A_528, %div3A_526 : vector<4x2048xf32>
    %sub3A_530 = arith.subf %div3A_490, %max3A_529 : vector<4x2048xf32>
    %exp3A_531 = math.exp %sub3A_530 : vector<4x2048xf32>
    %sub3A_532 = arith.subf %div3A_502, %max3A_529 : vector<4x2048xf32>
    %exp3A_533 = math.exp %sub3A_532 : vector<4x2048xf32>
    %sub3A_534 = arith.subf %div3A_514, %max3A_529 : vector<4x2048xf32>
    %exp3A_535 = math.exp %sub3A_534 : vector<4x2048xf32>
    %sub3A_536 = arith.subf %div3A_526, %max3A_529 : vector<4x2048xf32>
    %exp3A_537 = math.exp %sub3A_536 : vector<4x2048xf32>
    %add3A_538 = arith.addf %exp3A_531, %exp3A_535 : vector<4x2048xf32>
    %add3A_539 = arith.addf %exp3A_533, %exp3A_537 : vector<4x2048xf32>
    %add3A_540 = arith.addf %add3A_538, %add3A_539 : vector<4x2048xf32>
    %div3A_541 = arith.divf %exp3A_531, %add3A_540 : vector<4x2048xf32>
    %convert_element_type3A_542 = arith.truncf %div3A_541 : vector<4x2048xf32> to vector<4x2048xbf16>
    %convert_element_type3A_543 = arith.extf %convert_element_type3A_542 : vector<4x2048xbf16> to vector<4x2048xf32>
    %broadcast_in_dim3A_544 = vector.shape_cast %convert_element_type3A_543 : vector<4x2048xf32> to vector<4x1x2048xf32>
    %broadcast_in_dim3A_545 = vector.shape_cast %broadcast_in_dim3A_544 : vector<4x1x2048xf32> to vector<4x1x2048xf32>
    %broadcast_in_dim3A_546 = vector.broadcast %broadcast_in_dim3A_545 : vector<4x1x2048xf32> to vector<4x8x2048xf32>
    %reshape3A_547 = vector.shape_cast %broadcast_in_dim3A_546 : vector<4x8x2048xf32> to vector<32x2048xf32>
    %mul3A_548 = arith.mulf %reshape3A_547, %convert_element_type3A_328 : vector<32x2048xf32>
    %div3A_549 = arith.divf %exp3A_533, %add3A_540 : vector<4x2048xf32>
    %convert_element_type3A_550 = arith.truncf %div3A_549 : vector<4x2048xf32> to vector<4x2048xbf16>
    %convert_element_type3A_551 = arith.extf %convert_element_type3A_550 : vector<4x2048xbf16> to vector<4x2048xf32>
    %broadcast_in_dim3A_552 = vector.shape_cast %convert_element_type3A_551 : vector<4x2048xf32> to vector<4x1x2048xf32>
    %broadcast_in_dim3A_553 = vector.shape_cast %broadcast_in_dim3A_552 : vector<4x1x2048xf32> to vector<4x1x2048xf32>
    %broadcast_in_dim3A_554 = vector.broadcast %broadcast_in_dim3A_553 : vector<4x1x2048xf32> to vector<4x8x2048xf32>
    %reshape3A_555 = vector.shape_cast %broadcast_in_dim3A_554 : vector<4x8x2048xf32> to vector<32x2048xf32>
    %mul3A_556 = arith.mulf %reshape3A_555, %convert_element_type3A_331 : vector<32x2048xf32>
    %div3A_557 = arith.divf %exp3A_535, %add3A_540 : vector<4x2048xf32>
    %convert_element_type3A_558 = arith.truncf %div3A_557 : vector<4x2048xf32> to vector<4x2048xbf16>
    %convert_element_type3A_559 = arith.extf %convert_element_type3A_558 : vector<4x2048xbf16> to vector<4x2048xf32>
    %broadcast_in_dim3A_560 = vector.shape_cast %convert_element_type3A_559 : vector<4x2048xf32> to vector<4x1x2048xf32>
    %broadcast_in_dim3A_561 = vector.shape_cast %broadcast_in_dim3A_560 : vector<4x1x2048xf32> to vector<4x1x2048xf32>
    %broadcast_in_dim3A_562 = vector.broadcast %broadcast_in_dim3A_561 : vector<4x1x2048xf32> to vector<4x8x2048xf32>
    %reshape3A_563 = vector.shape_cast %broadcast_in_dim3A_562 : vector<4x8x2048xf32> to vector<32x2048xf32>
    %mul3A_564 = arith.mulf %reshape3A_563, %convert_element_type3A_334 : vector<32x2048xf32>
    %div3A_565 = arith.divf %exp3A_537, %add3A_540 : vector<4x2048xf32>
    %convert_element_type3A_566 = arith.truncf %div3A_565 : vector<4x2048xf32> to vector<4x2048xbf16>
    %convert_element_type3A_567 = arith.extf %convert_element_type3A_566 : vector<4x2048xbf16> to vector<4x2048xf32>
    %broadcast_in_dim3A_568 = vector.shape_cast %convert_element_type3A_567 : vector<4x2048xf32> to vector<4x1x2048xf32>
    %broadcast_in_dim3A_569 = vector.shape_cast %broadcast_in_dim3A_568 : vector<4x1x2048xf32> to vector<4x1x2048xf32>
    %broadcast_in_dim3A_570 = vector.broadcast %broadcast_in_dim3A_569 : vector<4x1x2048xf32> to vector<4x8x2048xf32>
    %reshape3A_571 = vector.shape_cast %broadcast_in_dim3A_570 : vector<4x8x2048xf32> to vector<32x2048xf32>
    %mul3A_572 = arith.mulf %reshape3A_571, %convert_element_type3A_337 : vector<32x2048xf32>
    %add3A_573 = arith.addf %mul3A_548, %mul3A_564 : vector<32x2048xf32>
    %add3A_574 = arith.addf %mul3A_556, %mul3A_572 : vector<32x2048xf32>
    %add3A_575 = arith.addf %add3A_573, %add3A_574 : vector<32x2048xf32>
    %mul3A_576 = arith.mulf %convert_element_type3A_310, %convert_element_type3A_313 : vector<32x2048xf32>
    %reshape3A_577 = vector.shape_cast %mul3A_576 : vector<32x2048xf32> to vector<16x2x2048xf32>
    %reduce_sum3A_578 = arith.constant dense<0.000000e+00> : vector<16x2048xf32>
    %reduce_sum3A_579 = vector.multi_reduction <add>, %reshape3A_577, %reduce_sum3A_578 [1] : vector<16x2x2048xf32> to vector<16x2048xf32>
    %reshape3A_580 = vector.shape_cast %reduce_sum3A_579 : vector<16x2048xf32> to vector<8x2x2048xf32>
    %reduce_sum3A_581 = arith.constant dense<0.000000e+00> : vector<8x2048xf32>
    %reduce_sum3A_582 = vector.multi_reduction <add>, %reshape3A_580, %reduce_sum3A_581 [1] : vector<8x2x2048xf32> to vector<8x2048xf32>
    %reshape3A_583 = vector.shape_cast %reduce_sum3A_582 : vector<8x2048xf32> to vector<4x2x2048xf32>
    %reduce_sum3A_584 = arith.constant dense<0.000000e+00> : vector<4x2048xf32>
    %reduce_sum3A_585 = vector.multi_reduction <add>, %reshape3A_583, %reduce_sum3A_584 [1] : vector<4x2x2048xf32> to vector<4x2048xf32>
    %div3A_586 = vector.broadcast %sqrt3A_97 : f32 to vector<4x2048xf32>
    %div3A_587 = arith.divf %reduce_sum3A_585, %div3A_586 : vector<4x2048xf32>
    %mul3A_588 = arith.mulf %convert_element_type3A_310, %convert_element_type3A_316 : vector<32x2048xf32>
    %reshape3A_589 = vector.shape_cast %mul3A_588 : vector<32x2048xf32> to vector<16x2x2048xf32>
    %reduce_sum3A_590 = arith.constant dense<0.000000e+00> : vector<16x2048xf32>
    %reduce_sum3A_591 = vector.multi_reduction <add>, %reshape3A_589, %reduce_sum3A_590 [1] : vector<16x2x2048xf32> to vector<16x2048xf32>
    %reshape3A_592 = vector.shape_cast %reduce_sum3A_591 : vector<16x2048xf32> to vector<8x2x2048xf32>
    %reduce_sum3A_593 = arith.constant dense<0.000000e+00> : vector<8x2048xf32>
    %reduce_sum3A_594 = vector.multi_reduction <add>, %reshape3A_592, %reduce_sum3A_593 [1] : vector<8x2x2048xf32> to vector<8x2048xf32>
    %reshape3A_595 = vector.shape_cast %reduce_sum3A_594 : vector<8x2048xf32> to vector<4x2x2048xf32>
    %reduce_sum3A_596 = arith.constant dense<0.000000e+00> : vector<4x2048xf32>
    %reduce_sum3A_597 = vector.multi_reduction <add>, %reshape3A_595, %reduce_sum3A_596 [1] : vector<4x2x2048xf32> to vector<4x2048xf32>
    %div3A_598 = vector.broadcast %sqrt3A_97 : f32 to vector<4x2048xf32>
    %div3A_599 = arith.divf %reduce_sum3A_597, %div3A_598 : vector<4x2048xf32>
    %mul3A_600 = arith.mulf %convert_element_type3A_310, %convert_element_type3A_319 : vector<32x2048xf32>
    %reshape3A_601 = vector.shape_cast %mul3A_600 : vector<32x2048xf32> to vector<16x2x2048xf32>
    %reduce_sum3A_602 = arith.constant dense<0.000000e+00> : vector<16x2048xf32>
    %reduce_sum3A_603 = vector.multi_reduction <add>, %reshape3A_601, %reduce_sum3A_602 [1] : vector<16x2x2048xf32> to vector<16x2048xf32>
    %reshape3A_604 = vector.shape_cast %reduce_sum3A_603 : vector<16x2048xf32> to vector<8x2x2048xf32>
    %reduce_sum3A_605 = arith.constant dense<0.000000e+00> : vector<8x2048xf32>
    %reduce_sum3A_606 = vector.multi_reduction <add>, %reshape3A_604, %reduce_sum3A_605 [1] : vector<8x2x2048xf32> to vector<8x2048xf32>
    %reshape3A_607 = vector.shape_cast %reduce_sum3A_606 : vector<8x2048xf32> to vector<4x2x2048xf32>
    %reduce_sum3A_608 = arith.constant dense<0.000000e+00> : vector<4x2048xf32>
    %reduce_sum3A_609 = vector.multi_reduction <add>, %reshape3A_607, %reduce_sum3A_608 [1] : vector<4x2x2048xf32> to vector<4x2048xf32>
    %div3A_610 = vector.broadcast %sqrt3A_97 : f32 to vector<4x2048xf32>
    %div3A_611 = arith.divf %reduce_sum3A_609, %div3A_610 : vector<4x2048xf32>
    %mul3A_612 = arith.mulf %convert_element_type3A_310, %convert_element_type3A_322 : vector<32x2048xf32>
    %reshape3A_613 = vector.shape_cast %mul3A_612 : vector<32x2048xf32> to vector<16x2x2048xf32>
    %reduce_sum3A_614 = arith.constant dense<0.000000e+00> : vector<16x2048xf32>
    %reduce_sum3A_615 = vector.multi_reduction <add>, %reshape3A_613, %reduce_sum3A_614 [1] : vector<16x2x2048xf32> to vector<16x2048xf32>
    %reshape3A_616 = vector.shape_cast %reduce_sum3A_615 : vector<16x2048xf32> to vector<8x2x2048xf32>
    %reduce_sum3A_617 = arith.constant dense<0.000000e+00> : vector<8x2048xf32>
    %reduce_sum3A_618 = vector.multi_reduction <add>, %reshape3A_616, %reduce_sum3A_617 [1] : vector<8x2x2048xf32> to vector<8x2048xf32>
    %reshape3A_619 = vector.shape_cast %reduce_sum3A_618 : vector<8x2048xf32> to vector<4x2x2048xf32>
    %reduce_sum3A_620 = arith.constant dense<0.000000e+00> : vector<4x2048xf32>
    %reduce_sum3A_621 = vector.multi_reduction <add>, %reshape3A_619, %reduce_sum3A_620 [1] : vector<4x2x2048xf32> to vector<4x2048xf32>
    %div3A_622 = vector.broadcast %sqrt3A_97 : f32 to vector<4x2048xf32>
    %div3A_623 = arith.divf %reduce_sum3A_621, %div3A_622 : vector<4x2048xf32>
    %mul3A_624 = arith.mulf %convert_element_type3A_310, %convert_element_type3A_325 : vector<32x2048xf32>
    %reshape3A_625 = vector.shape_cast %mul3A_624 : vector<32x2048xf32> to vector<16x2x2048xf32>
    %reduce_sum3A_626 = arith.constant dense<0.000000e+00> : vector<16x2048xf32>
    %reduce_sum3A_627 = vector.multi_reduction <add>, %reshape3A_625, %reduce_sum3A_626 [1] : vector<16x2x2048xf32> to vector<16x2048xf32>
    %reshape3A_628 = vector.shape_cast %reduce_sum3A_627 : vector<16x2048xf32> to vector<8x2x2048xf32>
    %reduce_sum3A_629 = arith.constant dense<0.000000e+00> : vector<8x2048xf32>
    %reduce_sum3A_630 = vector.multi_reduction <add>, %reshape3A_628, %reduce_sum3A_629 [1] : vector<8x2x2048xf32> to vector<8x2048xf32>
    %reshape3A_631 = vector.shape_cast %reduce_sum3A_630 : vector<8x2048xf32> to vector<4x2x2048xf32>
    %reduce_sum3A_632 = arith.constant dense<0.000000e+00> : vector<4x2048xf32>
    %reduce_sum3A_633 = vector.multi_reduction <add>, %reshape3A_631, %reduce_sum3A_632 [1] : vector<4x2x2048xf32> to vector<4x2048xf32>
    %div3A_634 = vector.broadcast %sqrt3A_97 : f32 to vector<4x2048xf32>
    %div3A_635 = arith.divf %reduce_sum3A_633, %div3A_634 : vector<4x2048xf32>
    %max3A_636 = arith.maximumf %div3A_587, %div3A_599 : vector<4x2048xf32>
    %max3A_637 = arith.maximumf %max3A_636, %div3A_611 : vector<4x2048xf32>
    %max3A_638 = arith.maximumf %max3A_637, %div3A_623 : vector<4x2048xf32>
    %max3A_639 = arith.maximumf %max3A_638, %div3A_635 : vector<4x2048xf32>
    %sub3A_640 = arith.subf %div3A_587, %max3A_639 : vector<4x2048xf32>
    %exp3A_641 = math.exp %sub3A_640 : vector<4x2048xf32>
    %sub3A_642 = arith.subf %div3A_599, %max3A_639 : vector<4x2048xf32>
    %exp3A_643 = math.exp %sub3A_642 : vector<4x2048xf32>
    %sub3A_644 = arith.subf %div3A_611, %max3A_639 : vector<4x2048xf32>
    %exp3A_645 = math.exp %sub3A_644 : vector<4x2048xf32>
    %sub3A_646 = arith.subf %div3A_623, %max3A_639 : vector<4x2048xf32>
    %exp3A_647 = math.exp %sub3A_646 : vector<4x2048xf32>
    %sub3A_648 = arith.subf %div3A_635, %max3A_639 : vector<4x2048xf32>
    %exp3A_649 = math.exp %sub3A_648 : vector<4x2048xf32>
    %add3A_650 = arith.addf %exp3A_641, %exp3A_649 : vector<4x2048xf32>
    %add3A_651 = arith.addf %add3A_650, %exp3A_645 : vector<4x2048xf32>
    %add3A_652 = arith.addf %exp3A_643, %exp3A_647 : vector<4x2048xf32>
    %add3A_653 = arith.addf %add3A_651, %add3A_652 : vector<4x2048xf32>
    %div3A_654 = arith.divf %exp3A_641, %add3A_653 : vector<4x2048xf32>
    %convert_element_type3A_655 = arith.truncf %div3A_654 : vector<4x2048xf32> to vector<4x2048xbf16>
    %convert_element_type3A_656 = arith.extf %convert_element_type3A_655 : vector<4x2048xbf16> to vector<4x2048xf32>
    %broadcast_in_dim3A_657 = vector.shape_cast %convert_element_type3A_656 : vector<4x2048xf32> to vector<4x1x2048xf32>
    %broadcast_in_dim3A_658 = vector.shape_cast %broadcast_in_dim3A_657 : vector<4x1x2048xf32> to vector<4x1x2048xf32>
    %broadcast_in_dim3A_659 = vector.broadcast %broadcast_in_dim3A_658 : vector<4x1x2048xf32> to vector<4x8x2048xf32>
    %reshape3A_660 = vector.shape_cast %broadcast_in_dim3A_659 : vector<4x8x2048xf32> to vector<32x2048xf32>
    %mul3A_661 = arith.mulf %reshape3A_660, %convert_element_type3A_328 : vector<32x2048xf32>
    %div3A_662 = arith.divf %exp3A_643, %add3A_653 : vector<4x2048xf32>
    %convert_element_type3A_663 = arith.truncf %div3A_662 : vector<4x2048xf32> to vector<4x2048xbf16>
    %convert_element_type3A_664 = arith.extf %convert_element_type3A_663 : vector<4x2048xbf16> to vector<4x2048xf32>
    %broadcast_in_dim3A_665 = vector.shape_cast %convert_element_type3A_664 : vector<4x2048xf32> to vector<4x1x2048xf32>
    %broadcast_in_dim3A_666 = vector.shape_cast %broadcast_in_dim3A_665 : vector<4x1x2048xf32> to vector<4x1x2048xf32>
    %broadcast_in_dim3A_667 = vector.broadcast %broadcast_in_dim3A_666 : vector<4x1x2048xf32> to vector<4x8x2048xf32>
    %reshape3A_668 = vector.shape_cast %broadcast_in_dim3A_667 : vector<4x8x2048xf32> to vector<32x2048xf32>
    %mul3A_669 = arith.mulf %reshape3A_668, %convert_element_type3A_331 : vector<32x2048xf32>
    %div3A_670 = arith.divf %exp3A_645, %add3A_653 : vector<4x2048xf32>
    %convert_element_type3A_671 = arith.truncf %div3A_670 : vector<4x2048xf32> to vector<4x2048xbf16>
    %convert_element_type3A_672 = arith.extf %convert_element_type3A_671 : vector<4x2048xbf16> to vector<4x2048xf32>
    %broadcast_in_dim3A_673 = vector.shape_cast %convert_element_type3A_672 : vector<4x2048xf32> to vector<4x1x2048xf32>
    %broadcast_in_dim3A_674 = vector.shape_cast %broadcast_in_dim3A_673 : vector<4x1x2048xf32> to vector<4x1x2048xf32>
    %broadcast_in_dim3A_675 = vector.broadcast %broadcast_in_dim3A_674 : vector<4x1x2048xf32> to vector<4x8x2048xf32>
    %reshape3A_676 = vector.shape_cast %broadcast_in_dim3A_675 : vector<4x8x2048xf32> to vector<32x2048xf32>
    %mul3A_677 = arith.mulf %reshape3A_676, %convert_element_type3A_334 : vector<32x2048xf32>
    %div3A_678 = arith.divf %exp3A_647, %add3A_653 : vector<4x2048xf32>
    %convert_element_type3A_679 = arith.truncf %div3A_678 : vector<4x2048xf32> to vector<4x2048xbf16>
    %convert_element_type3A_680 = arith.extf %convert_element_type3A_679 : vector<4x2048xbf16> to vector<4x2048xf32>
    %broadcast_in_dim3A_681 = vector.shape_cast %convert_element_type3A_680 : vector<4x2048xf32> to vector<4x1x2048xf32>
    %broadcast_in_dim3A_682 = vector.shape_cast %broadcast_in_dim3A_681 : vector<4x1x2048xf32> to vector<4x1x2048xf32>
    %broadcast_in_dim3A_683 = vector.broadcast %broadcast_in_dim3A_682 : vector<4x1x2048xf32> to vector<4x8x2048xf32>
    %reshape3A_684 = vector.shape_cast %broadcast_in_dim3A_683 : vector<4x8x2048xf32> to vector<32x2048xf32>
    %mul3A_685 = arith.mulf %reshape3A_684, %convert_element_type3A_337 : vector<32x2048xf32>
    %div3A_686 = arith.divf %exp3A_649, %add3A_653 : vector<4x2048xf32>
    %convert_element_type3A_687 = arith.truncf %div3A_686 : vector<4x2048xf32> to vector<4x2048xbf16>
    %convert_element_type3A_688 = arith.extf %convert_element_type3A_687 : vector<4x2048xbf16> to vector<4x2048xf32>
    %broadcast_in_dim3A_689 = vector.shape_cast %convert_element_type3A_688 : vector<4x2048xf32> to vector<4x1x2048xf32>
    %broadcast_in_dim3A_690 = vector.shape_cast %broadcast_in_dim3A_689 : vector<4x1x2048xf32> to vector<4x1x2048xf32>
    %broadcast_in_dim3A_691 = vector.broadcast %broadcast_in_dim3A_690 : vector<4x1x2048xf32> to vector<4x8x2048xf32>
    %reshape3A_692 = vector.shape_cast %broadcast_in_dim3A_691 : vector<4x8x2048xf32> to vector<32x2048xf32>
    %mul3A_693 = arith.mulf %reshape3A_692, %convert_element_type3A_340 : vector<32x2048xf32>
    %add3A_694 = arith.addf %mul3A_661, %mul3A_693 : vector<32x2048xf32>
    %add3A_695 = arith.addf %add3A_694, %mul3A_677 : vector<32x2048xf32>
    %add3A_696 = arith.addf %mul3A_669, %mul3A_685 : vector<32x2048xf32>
    %add3A_697 = arith.addf %add3A_695, %add3A_696 : vector<32x2048xf32>
    %get3A_698 = arith.constant 0 : index
    %get3A_699 = arith.constant 0 : index
    %get3A_700 = arith.constant 0 : index
    %get3A_701 = vector.load %arg9[%get3A_698, %get3A_699, %get3A_700] : memref<2x32x32xf32, #tpu.memory_space<vmem>>, vector<1x32x32xf32>
    %get3A_702 = vector.shape_cast %get3A_701 : vector<1x32x32xf32> to vector<32x32xf32>
    %get3A_703 = arith.constant 0 : index
    %get3A_704 = arith.constant 0 : index
    %get3A_705 = arith.constant 0 : index
    %get3A_706 = vector.load %arg10[%get3A_703, %get3A_704, %get3A_705] : memref<2x32x1xf32, #tpu.memory_space<vmem>>, vector<1x32x1xf32>
    %get3A_707 = vector.shape_cast %get3A_706 : vector<1x32x1xf32> to vector<32x1xf32>
    %dot_general3A_708 = arith.constant dense<0.000000e+00> : vector<32x2048xf32>
    %dot_general3A_709 = tpu.matmul %get3A_702, %mul3A_360, %dot_general3A_708 {dimension_numbers = #tpu.dot_dimension_numbers<[0], [0], [1], [1], [0, 1, 1, 1], [], []>, transpose_lhs_hint = false} : vector<32x32xf32>, vector<32x2048xf32>, vector<32x2048xf32> -> vector<32x2048xf32>
    %add3A_710 = arith.addf %add3A_16, %dot_general3A_709 : vector<32x2048xf32>
    %add3A_711 = vector.broadcast %get3A_707 : vector<32x1xf32> to vector<32x2048xf32>
    %add3A_712 = arith.addf %add3A_710, %add3A_711 : vector<32x2048xf32>
    %dot_general3A_713 = arith.constant dense<0.000000e+00> : vector<32x2048xf32>
    %dot_general3A_714 = tpu.matmul %get3A_702, %add3A_406, %dot_general3A_713 {dimension_numbers = #tpu.dot_dimension_numbers<[0], [0], [1], [1], [0, 1, 1, 1], [], []>, transpose_lhs_hint = false} : vector<32x32xf32>, vector<32x2048xf32>, vector<32x2048xf32> -> vector<32x2048xf32>
    %add3A_715 = arith.addf %add3A_36, %dot_general3A_714 : vector<32x2048xf32>
    %add3A_716 = vector.broadcast %get3A_707 : vector<32x1xf32> to vector<32x2048xf32>
    %add3A_717 = arith.addf %add3A_715, %add3A_716 : vector<32x2048xf32>
    %dot_general3A_718 = arith.constant dense<0.000000e+00> : vector<32x2048xf32>
    %dot_general3A_719 = tpu.matmul %get3A_702, %add3A_478, %dot_general3A_718 {dimension_numbers = #tpu.dot_dimension_numbers<[0], [0], [1], [1], [0, 1, 1, 1], [], []>, transpose_lhs_hint = false} : vector<32x32xf32>, vector<32x2048xf32>, vector<32x2048xf32> -> vector<32x2048xf32>
    %add3A_720 = arith.addf %add3A_56, %dot_general3A_719 : vector<32x2048xf32>
    %add3A_721 = vector.broadcast %get3A_707 : vector<32x1xf32> to vector<32x2048xf32>
    %add3A_722 = arith.addf %add3A_720, %add3A_721 : vector<32x2048xf32>
    %dot_general3A_723 = arith.constant dense<0.000000e+00> : vector<32x2048xf32>
    %dot_general3A_724 = tpu.matmul %get3A_702, %add3A_575, %dot_general3A_723 {dimension_numbers = #tpu.dot_dimension_numbers<[0], [0], [1], [1], [0, 1, 1, 1], [], []>, transpose_lhs_hint = false} : vector<32x32xf32>, vector<32x2048xf32>, vector<32x2048xf32> -> vector<32x2048xf32>
    %add3A_725 = arith.addf %add3A_76, %dot_general3A_724 : vector<32x2048xf32>
    %add3A_726 = vector.broadcast %get3A_707 : vector<32x1xf32> to vector<32x2048xf32>
    %add3A_727 = arith.addf %add3A_725, %add3A_726 : vector<32x2048xf32>
    %dot_general3A_728 = arith.constant dense<0.000000e+00> : vector<32x2048xf32>
    %dot_general3A_729 = tpu.matmul %get3A_702, %add3A_697, %dot_general3A_728 {dimension_numbers = #tpu.dot_dimension_numbers<[0], [0], [1], [1], [0, 1, 1, 1], [], []>, transpose_lhs_hint = false} : vector<32x32xf32>, vector<32x2048xf32>, vector<32x2048xf32> -> vector<32x2048xf32>
    %add3A_730 = arith.addf %add3A_96, %dot_general3A_729 : vector<32x2048xf32>
    %add3A_731 = vector.broadcast %get3A_707 : vector<32x1xf32> to vector<32x2048xf32>
    %add3A_732 = arith.addf %add3A_730, %add3A_731 : vector<32x2048xf32>
    %get3A_733 = arith.constant 0 : index
    %get3A_734 = arith.constant 0 : index
    %get3A_735 = arith.constant 0 : index
    %get3A_736 = vector.load %arg13[%get3A_733, %get3A_734, %get3A_735] : memref<2x32x128xf32, #tpu.memory_space<vmem>>, vector<1x32x128xf32>
    %get3A_737 = vector.shape_cast %get3A_736 : vector<1x32x128xf32> to vector<32x128xf32>
    %get3A_738 = arith.constant 0 : index
    %get3A_739 = arith.constant 0 : index
    %get3A_740 = arith.constant 0 : index
    %get3A_741 = vector.load %arg14[%get3A_738, %get3A_739, %get3A_740] : memref<2x128x1xf32, #tpu.memory_space<vmem>>, vector<1x128x1xf32>
    %get3A_742 = vector.shape_cast %get3A_741 : vector<1x128x1xf32> to vector<128x1xf32>
    %get3A_743 = arith.constant 0 : index
    %get3A_744 = arith.constant 0 : index
    %get3A_745 = arith.constant 0 : index
    %get3A_746 = vector.load %arg15[%get3A_743, %get3A_744, %get3A_745] : memref<2x128x32xf32, #tpu.memory_space<vmem>>, vector<1x128x32xf32>
    %get3A_747 = vector.shape_cast %get3A_746 : vector<1x128x32xf32> to vector<128x32xf32>
    %get3A_748 = arith.constant 0 : index
    %get3A_749 = arith.constant 0 : index
    %get3A_750 = arith.constant 0 : index
    %get3A_751 = vector.load %arg16[%get3A_748, %get3A_749, %get3A_750] : memref<2x32x1xf32, #tpu.memory_space<vmem>>, vector<1x32x1xf32>
    %get3A_752 = vector.shape_cast %get3A_751 : vector<1x32x1xf32> to vector<32x1xf32>
    %get3A_753 = arith.constant 0 : index
    %get3A_754 = arith.constant 0 : index
    %get3A_755 = arith.constant 0 : index
    %get3A_756 = vector.load %arg11[%get3A_753, %get3A_754, %get3A_755] : memref<2x32x1xf32, #tpu.memory_space<vmem>>, vector<1x32x1xf32>
    %get3A_757 = vector.shape_cast %get3A_756 : vector<1x32x1xf32> to vector<32x1xf32>
    %get3A_758 = arith.constant 0 : index
    %get3A_759 = arith.constant 0 : index
    %get3A_760 = arith.constant 0 : index
    %get3A_761 = vector.load %arg12[%get3A_758, %get3A_759, %get3A_760] : memref<2x32x1xf32, #tpu.memory_space<vmem>>, vector<1x32x1xf32>
    %get3A_762 = vector.shape_cast %get3A_761 : vector<1x32x1xf32> to vector<32x1xf32>
    %reduce_sum3A_763 = arith.constant dense<0.000000e+00> : vector<2048xf32>
    %reduce_sum3A_764 = vector.multi_reduction <add>, %add3A_712, %reduce_sum3A_763 [0] : vector<32x2048xf32> to vector<2048xf32>
    %broadcast_in_dim3A_765 = vector.shape_cast %reduce_sum3A_764 : vector<2048xf32> to vector<1x2048xf32>
    %div3A_766 = arith.constant 3.200000e+01 : f32
    %div3A_767 = vector.broadcast %div3A_766 : f32 to vector<1x2048xf32>
    %div3A_768 = arith.divf %broadcast_in_dim3A_765, %div3A_767 : vector<1x2048xf32>
    %sub3A_769 = vector.broadcast %div3A_768 : vector<1x2048xf32> to vector<32x2048xf32>
    %sub3A_770 = arith.subf %add3A_712, %sub3A_769 : vector<32x2048xf32>
    %mul3A_771 = arith.mulf %sub3A_770, %sub3A_770 : vector<32x2048xf32>
    %reduce_sum3A_772 = arith.constant dense<0.000000e+00> : vector<2048xf32>
    %reduce_sum3A_773 = vector.multi_reduction <add>, %mul3A_771, %reduce_sum3A_772 [0] : vector<32x2048xf32> to vector<2048xf32>
    %broadcast_in_dim3A_774 = vector.shape_cast %reduce_sum3A_773 : vector<2048xf32> to vector<1x2048xf32>
    %div3A_775 = arith.constant 3.200000e+01 : f32
    %div3A_776 = vector.broadcast %div3A_775 : f32 to vector<1x2048xf32>
    %div3A_777 = arith.divf %broadcast_in_dim3A_774, %div3A_776 : vector<1x2048xf32>
    %add3A_778 = arith.constant 9.99999974E-6 : f32
    %add3A_779 = vector.broadcast %add3A_778 : f32 to vector<1x2048xf32>
    %add3A_780 = arith.addf %div3A_777, %add3A_779 : vector<1x2048xf32>
    %sqrt3A_781 = math.sqrt %add3A_780 : vector<1x2048xf32>
    %div3A_782 = vector.broadcast %sqrt3A_781 : vector<1x2048xf32> to vector<32x2048xf32>
    %div3A_783 = arith.divf %sub3A_770, %div3A_782 : vector<32x2048xf32>
    %mul3A_784 = vector.broadcast %get3A_757 : vector<32x1xf32> to vector<32x2048xf32>
    %mul3A_785 = arith.mulf %div3A_783, %mul3A_784 : vector<32x2048xf32>
    %add3A_786 = vector.broadcast %get3A_762 : vector<32x1xf32> to vector<32x2048xf32>
    %add3A_787 = arith.addf %mul3A_785, %add3A_786 : vector<32x2048xf32>
    %dot_general3A_788 = arith.constant dense<0.000000e+00> : vector<128x2048xf32>
    %dot_general3A_789 = tpu.matmul %get3A_737, %add3A_787, %dot_general3A_788 {dimension_numbers = #tpu.dot_dimension_numbers<[0], [0], [1], [1], [0, 1, 1, 1], [], []>, transpose_lhs_hint = false} : vector<32x128xf32>, vector<32x2048xf32>, vector<128x2048xf32> -> vector<128x2048xf32>
    %add3A_790 = vector.broadcast %get3A_742 : vector<128x1xf32> to vector<128x2048xf32>
    %add3A_791 = arith.addf %dot_general3A_789, %add3A_790 : vector<128x2048xf32>
    %integer_pow3A = arith.mulf %add3A_791, %add3A_791 : vector<128x2048xf32>
    %integer_pow3A_792 = arith.mulf %add3A_791, %integer_pow3A : vector<128x2048xf32>
    %mul3A_793 = arith.constant 4.471500e-02 : f32
    %mul3A_794 = vector.broadcast %mul3A_793 : f32 to vector<128x2048xf32>
    %mul3A_795 = arith.mulf %mul3A_794, %integer_pow3A_792 : vector<128x2048xf32>
    %add3A_796 = arith.addf %add3A_791, %mul3A_795 : vector<128x2048xf32>
    %mul3A_797 = arith.constant 0.797884583 : f32
    %mul3A_798 = vector.broadcast %mul3A_797 : f32 to vector<128x2048xf32>
    %mul3A_799 = arith.mulf %mul3A_798, %add3A_796 : vector<128x2048xf32>
    %tanh3A = math.tanh %mul3A_799 : vector<128x2048xf32>
    %add3A_800 = arith.constant 1.000000e+00 : f32
    %add3A_801 = vector.broadcast %add3A_800 : f32 to vector<128x2048xf32>
    %add3A_802 = arith.addf %add3A_801, %tanh3A : vector<128x2048xf32>
    %mul3A_803 = arith.constant 5.000000e-01 : f32
    %mul3A_804 = vector.broadcast %mul3A_803 : f32 to vector<128x2048xf32>
    %mul3A_805 = arith.mulf %mul3A_804, %add3A_802 : vector<128x2048xf32>
    %mul3A_806 = arith.mulf %add3A_791, %mul3A_805 : vector<128x2048xf32>
    %dot_general3A_807 = arith.constant dense<0.000000e+00> : vector<32x2048xf32>
    %dot_general3A_808 = tpu.matmul %get3A_747, %mul3A_806, %dot_general3A_807 {dimension_numbers = #tpu.dot_dimension_numbers<[0], [0], [1], [1], [0, 1, 1, 1], [], []>, transpose_lhs_hint = false} : vector<128x32xf32>, vector<128x2048xf32>, vector<32x2048xf32> -> vector<32x2048xf32>
    %add3A_809 = arith.addf %add3A_712, %dot_general3A_808 : vector<32x2048xf32>
    %add3A_810 = vector.broadcast %get3A_752 : vector<32x1xf32> to vector<32x2048xf32>
    %add3A_811 = arith.addf %add3A_809, %add3A_810 : vector<32x2048xf32>
    %get3A_812 = arith.constant 0 : index
    %get3A_813 = arith.constant 0 : index
    %get3A_814 = arith.constant 0 : index
    %get3A_815 = vector.load %arg11[%get3A_812, %get3A_813, %get3A_814] : memref<2x32x1xf32, #tpu.memory_space<vmem>>, vector<1x32x1xf32>
    %get3A_816 = vector.shape_cast %get3A_815 : vector<1x32x1xf32> to vector<32x1xf32>
    %get3A_817 = arith.constant 0 : index
    %get3A_818 = arith.constant 0 : index
    %get3A_819 = arith.constant 0 : index
    %get3A_820 = vector.load %arg12[%get3A_817, %get3A_818, %get3A_819] : memref<2x32x1xf32, #tpu.memory_space<vmem>>, vector<1x32x1xf32>
    %get3A_821 = vector.shape_cast %get3A_820 : vector<1x32x1xf32> to vector<32x1xf32>
    %reduce_sum3A_822 = arith.constant dense<0.000000e+00> : vector<2048xf32>
    %reduce_sum3A_823 = vector.multi_reduction <add>, %add3A_717, %reduce_sum3A_822 [0] : vector<32x2048xf32> to vector<2048xf32>
    %broadcast_in_dim3A_824 = vector.shape_cast %reduce_sum3A_823 : vector<2048xf32> to vector<1x2048xf32>
    %div3A_825 = arith.constant 3.200000e+01 : f32
    %div3A_826 = vector.broadcast %div3A_825 : f32 to vector<1x2048xf32>
    %div3A_827 = arith.divf %broadcast_in_dim3A_824, %div3A_826 : vector<1x2048xf32>
    %sub3A_828 = vector.broadcast %div3A_827 : vector<1x2048xf32> to vector<32x2048xf32>
    %sub3A_829 = arith.subf %add3A_717, %sub3A_828 : vector<32x2048xf32>
    %mul3A_830 = arith.mulf %sub3A_829, %sub3A_829 : vector<32x2048xf32>
    %reduce_sum3A_831 = arith.constant dense<0.000000e+00> : vector<2048xf32>
    %reduce_sum3A_832 = vector.multi_reduction <add>, %mul3A_830, %reduce_sum3A_831 [0] : vector<32x2048xf32> to vector<2048xf32>
    %broadcast_in_dim3A_833 = vector.shape_cast %reduce_sum3A_832 : vector<2048xf32> to vector<1x2048xf32>
    %div3A_834 = arith.constant 3.200000e+01 : f32
    %div3A_835 = vector.broadcast %div3A_834 : f32 to vector<1x2048xf32>
    %div3A_836 = arith.divf %broadcast_in_dim3A_833, %div3A_835 : vector<1x2048xf32>
    %add3A_837 = arith.constant 9.99999974E-6 : f32
    %add3A_838 = vector.broadcast %add3A_837 : f32 to vector<1x2048xf32>
    %add3A_839 = arith.addf %div3A_836, %add3A_838 : vector<1x2048xf32>
    %sqrt3A_840 = math.sqrt %add3A_839 : vector<1x2048xf32>
    %div3A_841 = vector.broadcast %sqrt3A_840 : vector<1x2048xf32> to vector<32x2048xf32>
    %div3A_842 = arith.divf %sub3A_829, %div3A_841 : vector<32x2048xf32>
    %mul3A_843 = vector.broadcast %get3A_816 : vector<32x1xf32> to vector<32x2048xf32>
    %mul3A_844 = arith.mulf %div3A_842, %mul3A_843 : vector<32x2048xf32>
    %add3A_845 = vector.broadcast %get3A_821 : vector<32x1xf32> to vector<32x2048xf32>
    %add3A_846 = arith.addf %mul3A_844, %add3A_845 : vector<32x2048xf32>
    %dot_general3A_847 = arith.constant dense<0.000000e+00> : vector<128x2048xf32>
    %dot_general3A_848 = tpu.matmul %get3A_737, %add3A_846, %dot_general3A_847 {dimension_numbers = #tpu.dot_dimension_numbers<[0], [0], [1], [1], [0, 1, 1, 1], [], []>, transpose_lhs_hint = false} : vector<32x128xf32>, vector<32x2048xf32>, vector<128x2048xf32> -> vector<128x2048xf32>
    %add3A_849 = vector.broadcast %get3A_742 : vector<128x1xf32> to vector<128x2048xf32>
    %add3A_850 = arith.addf %dot_general3A_848, %add3A_849 : vector<128x2048xf32>
    %integer_pow3A_851 = arith.mulf %add3A_850, %add3A_850 : vector<128x2048xf32>
    %integer_pow3A_852 = arith.mulf %add3A_850, %integer_pow3A_851 : vector<128x2048xf32>
    %mul3A_853 = arith.constant 4.471500e-02 : f32
    %mul3A_854 = vector.broadcast %mul3A_853 : f32 to vector<128x2048xf32>
    %mul3A_855 = arith.mulf %mul3A_854, %integer_pow3A_852 : vector<128x2048xf32>
    %add3A_856 = arith.addf %add3A_850, %mul3A_855 : vector<128x2048xf32>
    %mul3A_857 = arith.constant 0.797884583 : f32
    %mul3A_858 = vector.broadcast %mul3A_857 : f32 to vector<128x2048xf32>
    %mul3A_859 = arith.mulf %mul3A_858, %add3A_856 : vector<128x2048xf32>
    %tanh3A_860 = math.tanh %mul3A_859 : vector<128x2048xf32>
    %add3A_861 = arith.constant 1.000000e+00 : f32
    %add3A_862 = vector.broadcast %add3A_861 : f32 to vector<128x2048xf32>
    %add3A_863 = arith.addf %add3A_862, %tanh3A_860 : vector<128x2048xf32>
    %mul3A_864 = arith.constant 5.000000e-01 : f32
    %mul3A_865 = vector.broadcast %mul3A_864 : f32 to vector<128x2048xf32>
    %mul3A_866 = arith.mulf %mul3A_865, %add3A_863 : vector<128x2048xf32>
    %mul3A_867 = arith.mulf %add3A_850, %mul3A_866 : vector<128x2048xf32>
    %dot_general3A_868 = arith.constant dense<0.000000e+00> : vector<32x2048xf32>
    %dot_general3A_869 = tpu.matmul %get3A_747, %mul3A_867, %dot_general3A_868 {dimension_numbers = #tpu.dot_dimension_numbers<[0], [0], [1], [1], [0, 1, 1, 1], [], []>, transpose_lhs_hint = false} : vector<128x32xf32>, vector<128x2048xf32>, vector<32x2048xf32> -> vector<32x2048xf32>
    %add3A_870 = arith.addf %add3A_717, %dot_general3A_869 : vector<32x2048xf32>
    %add3A_871 = vector.broadcast %get3A_752 : vector<32x1xf32> to vector<32x2048xf32>
    %add3A_872 = arith.addf %add3A_870, %add3A_871 : vector<32x2048xf32>
    %get3A_873 = arith.constant 0 : index
    %get3A_874 = arith.constant 0 : index
    %get3A_875 = arith.constant 0 : index
    %get3A_876 = vector.load %arg11[%get3A_873, %get3A_874, %get3A_875] : memref<2x32x1xf32, #tpu.memory_space<vmem>>, vector<1x32x1xf32>
    %get3A_877 = vector.shape_cast %get3A_876 : vector<1x32x1xf32> to vector<32x1xf32>
    %get3A_878 = arith.constant 0 : index
    %get3A_879 = arith.constant 0 : index
    %get3A_880 = arith.constant 0 : index
    %get3A_881 = vector.load %arg12[%get3A_878, %get3A_879, %get3A_880] : memref<2x32x1xf32, #tpu.memory_space<vmem>>, vector<1x32x1xf32>
    %get3A_882 = vector.shape_cast %get3A_881 : vector<1x32x1xf32> to vector<32x1xf32>
    %reduce_sum3A_883 = arith.constant dense<0.000000e+00> : vector<2048xf32>
    %reduce_sum3A_884 = vector.multi_reduction <add>, %add3A_722, %reduce_sum3A_883 [0] : vector<32x2048xf32> to vector<2048xf32>
    %broadcast_in_dim3A_885 = vector.shape_cast %reduce_sum3A_884 : vector<2048xf32> to vector<1x2048xf32>
    %div3A_886 = arith.constant 3.200000e+01 : f32
    %div3A_887 = vector.broadcast %div3A_886 : f32 to vector<1x2048xf32>
    %div3A_888 = arith.divf %broadcast_in_dim3A_885, %div3A_887 : vector<1x2048xf32>
    %sub3A_889 = vector.broadcast %div3A_888 : vector<1x2048xf32> to vector<32x2048xf32>
    %sub3A_890 = arith.subf %add3A_722, %sub3A_889 : vector<32x2048xf32>
    %mul3A_891 = arith.mulf %sub3A_890, %sub3A_890 : vector<32x2048xf32>
    %reduce_sum3A_892 = arith.constant dense<0.000000e+00> : vector<2048xf32>
    %reduce_sum3A_893 = vector.multi_reduction <add>, %mul3A_891, %reduce_sum3A_892 [0] : vector<32x2048xf32> to vector<2048xf32>
    %broadcast_in_dim3A_894 = vector.shape_cast %reduce_sum3A_893 : vector<2048xf32> to vector<1x2048xf32>
    %div3A_895 = arith.constant 3.200000e+01 : f32
    %div3A_896 = vector.broadcast %div3A_895 : f32 to vector<1x2048xf32>
    %div3A_897 = arith.divf %broadcast_in_dim3A_894, %div3A_896 : vector<1x2048xf32>
    %add3A_898 = arith.constant 9.99999974E-6 : f32
    %add3A_899 = vector.broadcast %add3A_898 : f32 to vector<1x2048xf32>
    %add3A_900 = arith.addf %div3A_897, %add3A_899 : vector<1x2048xf32>
    %sqrt3A_901 = math.sqrt %add3A_900 : vector<1x2048xf32>
    %div3A_902 = vector.broadcast %sqrt3A_901 : vector<1x2048xf32> to vector<32x2048xf32>
    %div3A_903 = arith.divf %sub3A_890, %div3A_902 : vector<32x2048xf32>
    %mul3A_904 = vector.broadcast %get3A_877 : vector<32x1xf32> to vector<32x2048xf32>
    %mul3A_905 = arith.mulf %div3A_903, %mul3A_904 : vector<32x2048xf32>
    %add3A_906 = vector.broadcast %get3A_882 : vector<32x1xf32> to vector<32x2048xf32>
    %add3A_907 = arith.addf %mul3A_905, %add3A_906 : vector<32x2048xf32>
    %dot_general3A_908 = arith.constant dense<0.000000e+00> : vector<128x2048xf32>
    %dot_general3A_909 = tpu.matmul %get3A_737, %add3A_907, %dot_general3A_908 {dimension_numbers = #tpu.dot_dimension_numbers<[0], [0], [1], [1], [0, 1, 1, 1], [], []>, transpose_lhs_hint = false} : vector<32x128xf32>, vector<32x2048xf32>, vector<128x2048xf32> -> vector<128x2048xf32>
    %add3A_910 = vector.broadcast %get3A_742 : vector<128x1xf32> to vector<128x2048xf32>
    %add3A_911 = arith.addf %dot_general3A_909, %add3A_910 : vector<128x2048xf32>
    %integer_pow3A_912 = arith.mulf %add3A_911, %add3A_911 : vector<128x2048xf32>
    %integer_pow3A_913 = arith.mulf %add3A_911, %integer_pow3A_912 : vector<128x2048xf32>
    %mul3A_914 = arith.constant 4.471500e-02 : f32
    %mul3A_915 = vector.broadcast %mul3A_914 : f32 to vector<128x2048xf32>
    %mul3A_916 = arith.mulf %mul3A_915, %integer_pow3A_913 : vector<128x2048xf32>
    %add3A_917 = arith.addf %add3A_911, %mul3A_916 : vector<128x2048xf32>
    %mul3A_918 = arith.constant 0.797884583 : f32
    %mul3A_919 = vector.broadcast %mul3A_918 : f32 to vector<128x2048xf32>
    %mul3A_920 = arith.mulf %mul3A_919, %add3A_917 : vector<128x2048xf32>
    %tanh3A_921 = math.tanh %mul3A_920 : vector<128x2048xf32>
    %add3A_922 = arith.constant 1.000000e+00 : f32
    %add3A_923 = vector.broadcast %add3A_922 : f32 to vector<128x2048xf32>
    %add3A_924 = arith.addf %add3A_923, %tanh3A_921 : vector<128x2048xf32>
    %mul3A_925 = arith.constant 5.000000e-01 : f32
    %mul3A_926 = vector.broadcast %mul3A_925 : f32 to vector<128x2048xf32>
    %mul3A_927 = arith.mulf %mul3A_926, %add3A_924 : vector<128x2048xf32>
    %mul3A_928 = arith.mulf %add3A_911, %mul3A_927 : vector<128x2048xf32>
    %dot_general3A_929 = arith.constant dense<0.000000e+00> : vector<32x2048xf32>
    %dot_general3A_930 = tpu.matmul %get3A_747, %mul3A_928, %dot_general3A_929 {dimension_numbers = #tpu.dot_dimension_numbers<[0], [0], [1], [1], [0, 1, 1, 1], [], []>, transpose_lhs_hint = false} : vector<128x32xf32>, vector<128x2048xf32>, vector<32x2048xf32> -> vector<32x2048xf32>
    %add3A_931 = arith.addf %add3A_722, %dot_general3A_930 : vector<32x2048xf32>
    %add3A_932 = vector.broadcast %get3A_752 : vector<32x1xf32> to vector<32x2048xf32>
    %add3A_933 = arith.addf %add3A_931, %add3A_932 : vector<32x2048xf32>
    %get3A_934 = arith.constant 0 : index
    %get3A_935 = arith.constant 0 : index
    %get3A_936 = arith.constant 0 : index
    %get3A_937 = vector.load %arg11[%get3A_934, %get3A_935, %get3A_936] : memref<2x32x1xf32, #tpu.memory_space<vmem>>, vector<1x32x1xf32>
    %get3A_938 = vector.shape_cast %get3A_937 : vector<1x32x1xf32> to vector<32x1xf32>
    %get3A_939 = arith.constant 0 : index
    %get3A_940 = arith.constant 0 : index
    %get3A_941 = arith.constant 0 : index
    %get3A_942 = vector.load %arg12[%get3A_939, %get3A_940, %get3A_941] : memref<2x32x1xf32, #tpu.memory_space<vmem>>, vector<1x32x1xf32>
    %get3A_943 = vector.shape_cast %get3A_942 : vector<1x32x1xf32> to vector<32x1xf32>
    %reduce_sum3A_944 = arith.constant dense<0.000000e+00> : vector<2048xf32>
    %reduce_sum3A_945 = vector.multi_reduction <add>, %add3A_727, %reduce_sum3A_944 [0] : vector<32x2048xf32> to vector<2048xf32>
    %broadcast_in_dim3A_946 = vector.shape_cast %reduce_sum3A_945 : vector<2048xf32> to vector<1x2048xf32>
    %div3A_947 = arith.constant 3.200000e+01 : f32
    %div3A_948 = vector.broadcast %div3A_947 : f32 to vector<1x2048xf32>
    %div3A_949 = arith.divf %broadcast_in_dim3A_946, %div3A_948 : vector<1x2048xf32>
    %sub3A_950 = vector.broadcast %div3A_949 : vector<1x2048xf32> to vector<32x2048xf32>
    %sub3A_951 = arith.subf %add3A_727, %sub3A_950 : vector<32x2048xf32>
    %mul3A_952 = arith.mulf %sub3A_951, %sub3A_951 : vector<32x2048xf32>
    %reduce_sum3A_953 = arith.constant dense<0.000000e+00> : vector<2048xf32>
    %reduce_sum3A_954 = vector.multi_reduction <add>, %mul3A_952, %reduce_sum3A_953 [0] : vector<32x2048xf32> to vector<2048xf32>
    %broadcast_in_dim3A_955 = vector.shape_cast %reduce_sum3A_954 : vector<2048xf32> to vector<1x2048xf32>
    %div3A_956 = arith.constant 3.200000e+01 : f32
    %div3A_957 = vector.broadcast %div3A_956 : f32 to vector<1x2048xf32>
    %div3A_958 = arith.divf %broadcast_in_dim3A_955, %div3A_957 : vector<1x2048xf32>
    %add3A_959 = arith.constant 9.99999974E-6 : f32
    %add3A_960 = vector.broadcast %add3A_959 : f32 to vector<1x2048xf32>
    %add3A_961 = arith.addf %div3A_958, %add3A_960 : vector<1x2048xf32>
    %sqrt3A_962 = math.sqrt %add3A_961 : vector<1x2048xf32>
    %div3A_963 = vector.broadcast %sqrt3A_962 : vector<1x2048xf32> to vector<32x2048xf32>
    %div3A_964 = arith.divf %sub3A_951, %div3A_963 : vector<32x2048xf32>
    %mul3A_965 = vector.broadcast %get3A_938 : vector<32x1xf32> to vector<32x2048xf32>
    %mul3A_966 = arith.mulf %div3A_964, %mul3A_965 : vector<32x2048xf32>
    %add3A_967 = vector.broadcast %get3A_943 : vector<32x1xf32> to vector<32x2048xf32>
    %add3A_968 = arith.addf %mul3A_966, %add3A_967 : vector<32x2048xf32>
    %dot_general3A_969 = arith.constant dense<0.000000e+00> : vector<128x2048xf32>
    %dot_general3A_970 = tpu.matmul %get3A_737, %add3A_968, %dot_general3A_969 {dimension_numbers = #tpu.dot_dimension_numbers<[0], [0], [1], [1], [0, 1, 1, 1], [], []>, transpose_lhs_hint = false} : vector<32x128xf32>, vector<32x2048xf32>, vector<128x2048xf32> -> vector<128x2048xf32>
    %add3A_971 = vector.broadcast %get3A_742 : vector<128x1xf32> to vector<128x2048xf32>
    %add3A_972 = arith.addf %dot_general3A_970, %add3A_971 : vector<128x2048xf32>
    %integer_pow3A_973 = arith.mulf %add3A_972, %add3A_972 : vector<128x2048xf32>
    %integer_pow3A_974 = arith.mulf %add3A_972, %integer_pow3A_973 : vector<128x2048xf32>
    %mul3A_975 = arith.constant 4.471500e-02 : f32
    %mul3A_976 = vector.broadcast %mul3A_975 : f32 to vector<128x2048xf32>
    %mul3A_977 = arith.mulf %mul3A_976, %integer_pow3A_974 : vector<128x2048xf32>
    %add3A_978 = arith.addf %add3A_972, %mul3A_977 : vector<128x2048xf32>
    %mul3A_979 = arith.constant 0.797884583 : f32
    %mul3A_980 = vector.broadcast %mul3A_979 : f32 to vector<128x2048xf32>
    %mul3A_981 = arith.mulf %mul3A_980, %add3A_978 : vector<128x2048xf32>
    %tanh3A_982 = math.tanh %mul3A_981 : vector<128x2048xf32>
    %add3A_983 = arith.constant 1.000000e+00 : f32
    %add3A_984 = vector.broadcast %add3A_983 : f32 to vector<128x2048xf32>
    %add3A_985 = arith.addf %add3A_984, %tanh3A_982 : vector<128x2048xf32>
    %mul3A_986 = arith.constant 5.000000e-01 : f32
    %mul3A_987 = vector.broadcast %mul3A_986 : f32 to vector<128x2048xf32>
    %mul3A_988 = arith.mulf %mul3A_987, %add3A_985 : vector<128x2048xf32>
    %mul3A_989 = arith.mulf %add3A_972, %mul3A_988 : vector<128x2048xf32>
    %dot_general3A_990 = arith.constant dense<0.000000e+00> : vector<32x2048xf32>
    %dot_general3A_991 = tpu.matmul %get3A_747, %mul3A_989, %dot_general3A_990 {dimension_numbers = #tpu.dot_dimension_numbers<[0], [0], [1], [1], [0, 1, 1, 1], [], []>, transpose_lhs_hint = false} : vector<128x32xf32>, vector<128x2048xf32>, vector<32x2048xf32> -> vector<32x2048xf32>
    %add3A_992 = arith.addf %add3A_727, %dot_general3A_991 : vector<32x2048xf32>
    %add3A_993 = vector.broadcast %get3A_752 : vector<32x1xf32> to vector<32x2048xf32>
    %add3A_994 = arith.addf %add3A_992, %add3A_993 : vector<32x2048xf32>
    %get3A_995 = arith.constant 0 : index
    %get3A_996 = arith.constant 0 : index
    %get3A_997 = arith.constant 0 : index
    %get3A_998 = vector.load %arg11[%get3A_995, %get3A_996, %get3A_997] : memref<2x32x1xf32, #tpu.memory_space<vmem>>, vector<1x32x1xf32>
    %get3A_999 = vector.shape_cast %get3A_998 : vector<1x32x1xf32> to vector<32x1xf32>
    %get3A_1000 = arith.constant 0 : index
    %get3A_1001 = arith.constant 0 : index
    %get3A_1002 = arith.constant 0 : index
    %get3A_1003 = vector.load %arg12[%get3A_1000, %get3A_1001, %get3A_1002] : memref<2x32x1xf32, #tpu.memory_space<vmem>>, vector<1x32x1xf32>
    %get3A_1004 = vector.shape_cast %get3A_1003 : vector<1x32x1xf32> to vector<32x1xf32>
    %reduce_sum3A_1005 = arith.constant dense<0.000000e+00> : vector<2048xf32>
    %reduce_sum3A_1006 = vector.multi_reduction <add>, %add3A_732, %reduce_sum3A_1005 [0] : vector<32x2048xf32> to vector<2048xf32>
    %broadcast_in_dim3A_1007 = vector.shape_cast %reduce_sum3A_1006 : vector<2048xf32> to vector<1x2048xf32>
    %div3A_1008 = arith.constant 3.200000e+01 : f32
    %div3A_1009 = vector.broadcast %div3A_1008 : f32 to vector<1x2048xf32>
    %div3A_1010 = arith.divf %broadcast_in_dim3A_1007, %div3A_1009 : vector<1x2048xf32>
    %sub3A_1011 = vector.broadcast %div3A_1010 : vector<1x2048xf32> to vector<32x2048xf32>
    %sub3A_1012 = arith.subf %add3A_732, %sub3A_1011 : vector<32x2048xf32>
    %mul3A_1013 = arith.mulf %sub3A_1012, %sub3A_1012 : vector<32x2048xf32>
    %reduce_sum3A_1014 = arith.constant dense<0.000000e+00> : vector<2048xf32>
    %reduce_sum3A_1015 = vector.multi_reduction <add>, %mul3A_1013, %reduce_sum3A_1014 [0] : vector<32x2048xf32> to vector<2048xf32>
    %broadcast_in_dim3A_1016 = vector.shape_cast %reduce_sum3A_1015 : vector<2048xf32> to vector<1x2048xf32>
    %div3A_1017 = arith.constant 3.200000e+01 : f32
    %div3A_1018 = vector.broadcast %div3A_1017 : f32 to vector<1x2048xf32>
    %div3A_1019 = arith.divf %broadcast_in_dim3A_1016, %div3A_1018 : vector<1x2048xf32>
    %add3A_1020 = arith.constant 9.99999974E-6 : f32
    %add3A_1021 = vector.broadcast %add3A_1020 : f32 to vector<1x2048xf32>
    %add3A_1022 = arith.addf %div3A_1019, %add3A_1021 : vector<1x2048xf32>
    %sqrt3A_1023 = math.sqrt %add3A_1022 : vector<1x2048xf32>
    %div3A_1024 = vector.broadcast %sqrt3A_1023 : vector<1x2048xf32> to vector<32x2048xf32>
    %div3A_1025 = arith.divf %sub3A_1012, %div3A_1024 : vector<32x2048xf32>
    %mul3A_1026 = vector.broadcast %get3A_999 : vector<32x1xf32> to vector<32x2048xf32>
    %mul3A_1027 = arith.mulf %div3A_1025, %mul3A_1026 : vector<32x2048xf32>
    %add3A_1028 = vector.broadcast %get3A_1004 : vector<32x1xf32> to vector<32x2048xf32>
    %add3A_1029 = arith.addf %mul3A_1027, %add3A_1028 : vector<32x2048xf32>
    %dot_general3A_1030 = arith.constant dense<0.000000e+00> : vector<128x2048xf32>
    %dot_general3A_1031 = tpu.matmul %get3A_737, %add3A_1029, %dot_general3A_1030 {dimension_numbers = #tpu.dot_dimension_numbers<[0], [0], [1], [1], [0, 1, 1, 1], [], []>, transpose_lhs_hint = false} : vector<32x128xf32>, vector<32x2048xf32>, vector<128x2048xf32> -> vector<128x2048xf32>
    %add3A_1032 = vector.broadcast %get3A_742 : vector<128x1xf32> to vector<128x2048xf32>
    %add3A_1033 = arith.addf %dot_general3A_1031, %add3A_1032 : vector<128x2048xf32>
    %integer_pow3A_1034 = arith.mulf %add3A_1033, %add3A_1033 : vector<128x2048xf32>
    %integer_pow3A_1035 = arith.mulf %add3A_1033, %integer_pow3A_1034 : vector<128x2048xf32>
    %mul3A_1036 = arith.constant 4.471500e-02 : f32
    %mul3A_1037 = vector.broadcast %mul3A_1036 : f32 to vector<128x2048xf32>
    %mul3A_1038 = arith.mulf %mul3A_1037, %integer_pow3A_1035 : vector<128x2048xf32>
    %add3A_1039 = arith.addf %add3A_1033, %mul3A_1038 : vector<128x2048xf32>
    %mul3A_1040 = arith.constant 0.797884583 : f32
    %mul3A_1041 = vector.broadcast %mul3A_1040 : f32 to vector<128x2048xf32>
    %mul3A_1042 = arith.mulf %mul3A_1041, %add3A_1039 : vector<128x2048xf32>
    %tanh3A_1043 = math.tanh %mul3A_1042 : vector<128x2048xf32>
    %add3A_1044 = arith.constant 1.000000e+00 : f32
    %add3A_1045 = vector.broadcast %add3A_1044 : f32 to vector<128x2048xf32>
    %add3A_1046 = arith.addf %add3A_1045, %tanh3A_1043 : vector<128x2048xf32>
    %mul3A_1047 = arith.constant 5.000000e-01 : f32
    %mul3A_1048 = vector.broadcast %mul3A_1047 : f32 to vector<128x2048xf32>
    %mul3A_1049 = arith.mulf %mul3A_1048, %add3A_1046 : vector<128x2048xf32>
    %mul3A_1050 = arith.mulf %add3A_1033, %mul3A_1049 : vector<128x2048xf32>
    %dot_general3A_1051 = arith.constant dense<0.000000e+00> : vector<32x2048xf32>
    %dot_general3A_1052 = tpu.matmul %get3A_747, %mul3A_1050, %dot_general3A_1051 {dimension_numbers = #tpu.dot_dimension_numbers<[0], [0], [1], [1], [0, 1, 1, 1], [], []>, transpose_lhs_hint = false} : vector<128x32xf32>, vector<128x2048xf32>, vector<32x2048xf32> -> vector<32x2048xf32>
    %add3A_1053 = arith.addf %add3A_732, %dot_general3A_1052 : vector<32x2048xf32>
    %add3A_1054 = vector.broadcast %get3A_752 : vector<32x1xf32> to vector<32x2048xf32>
    %add3A_1055 = arith.addf %add3A_1053, %add3A_1054 : vector<32x2048xf32>
    %get3A_1056 = arith.constant 1 : index
    %get3A_1057 = arith.constant 0 : index
    %get3A_1058 = arith.constant 0 : index
    %get3A_1059 = vector.load %arg7[%get3A_1056, %get3A_1057, %get3A_1058] : memref<2x32x96xf32, #tpu.memory_space<vmem>>, vector<1x32x96xf32>
    %get3A_1060 = vector.shape_cast %get3A_1059 : vector<1x32x96xf32> to vector<32x96xf32>
    %get3A_1061 = arith.constant 1 : index
    %get3A_1062 = arith.constant 0 : index
    %get3A_1063 = arith.constant 0 : index
    %get3A_1064 = vector.load %arg8[%get3A_1061, %get3A_1062, %get3A_1063] : memref<2x96x1xf32, #tpu.memory_space<vmem>>, vector<1x96x1xf32>
    %get3A_1065 = vector.shape_cast %get3A_1064 : vector<1x96x1xf32> to vector<96x1xf32>
    %get3A_1066 = arith.constant 1 : index
    %get3A_1067 = arith.constant 0 : index
    %get3A_1068 = arith.constant 0 : index
    %get3A_1069 = vector.load %arg5[%get3A_1066, %get3A_1067, %get3A_1068] : memref<2x32x1xf32, #tpu.memory_space<vmem>>, vector<1x32x1xf32>
    %get3A_1070 = vector.shape_cast %get3A_1069 : vector<1x32x1xf32> to vector<32x1xf32>
    %get3A_1071 = arith.constant 1 : index
    %get3A_1072 = arith.constant 0 : index
    %get3A_1073 = arith.constant 0 : index
    %get3A_1074 = vector.load %arg6[%get3A_1071, %get3A_1072, %get3A_1073] : memref<2x32x1xf32, #tpu.memory_space<vmem>>, vector<1x32x1xf32>
    %get3A_1075 = vector.shape_cast %get3A_1074 : vector<1x32x1xf32> to vector<32x1xf32>
    %reduce_sum3A_1076 = arith.constant dense<0.000000e+00> : vector<2048xf32>
    %reduce_sum3A_1077 = vector.multi_reduction <add>, %add3A_811, %reduce_sum3A_1076 [0] : vector<32x2048xf32> to vector<2048xf32>
    %broadcast_in_dim3A_1078 = vector.shape_cast %reduce_sum3A_1077 : vector<2048xf32> to vector<1x2048xf32>
    %div3A_1079 = arith.constant 3.200000e+01 : f32
    %div3A_1080 = vector.broadcast %div3A_1079 : f32 to vector<1x2048xf32>
    %div3A_1081 = arith.divf %broadcast_in_dim3A_1078, %div3A_1080 : vector<1x2048xf32>
    %sub3A_1082 = vector.broadcast %div3A_1081 : vector<1x2048xf32> to vector<32x2048xf32>
    %sub3A_1083 = arith.subf %add3A_811, %sub3A_1082 : vector<32x2048xf32>
    %mul3A_1084 = arith.mulf %sub3A_1083, %sub3A_1083 : vector<32x2048xf32>
    %reduce_sum3A_1085 = arith.constant dense<0.000000e+00> : vector<2048xf32>
    %reduce_sum3A_1086 = vector.multi_reduction <add>, %mul3A_1084, %reduce_sum3A_1085 [0] : vector<32x2048xf32> to vector<2048xf32>
    %broadcast_in_dim3A_1087 = vector.shape_cast %reduce_sum3A_1086 : vector<2048xf32> to vector<1x2048xf32>
    %div3A_1088 = arith.constant 3.200000e+01 : f32
    %div3A_1089 = vector.broadcast %div3A_1088 : f32 to vector<1x2048xf32>
    %div3A_1090 = arith.divf %broadcast_in_dim3A_1087, %div3A_1089 : vector<1x2048xf32>
    %add3A_1091 = arith.constant 9.99999974E-6 : f32
    %add3A_1092 = vector.broadcast %add3A_1091 : f32 to vector<1x2048xf32>
    %add3A_1093 = arith.addf %div3A_1090, %add3A_1092 : vector<1x2048xf32>
    %sqrt3A_1094 = math.sqrt %add3A_1093 : vector<1x2048xf32>
    %div3A_1095 = vector.broadcast %sqrt3A_1094 : vector<1x2048xf32> to vector<32x2048xf32>
    %div3A_1096 = arith.divf %sub3A_1083, %div3A_1095 : vector<32x2048xf32>
    %mul3A_1097 = vector.broadcast %get3A_1070 : vector<32x1xf32> to vector<32x2048xf32>
    %mul3A_1098 = arith.mulf %div3A_1096, %mul3A_1097 : vector<32x2048xf32>
    %add3A_1099 = vector.broadcast %get3A_1075 : vector<32x1xf32> to vector<32x2048xf32>
    %add3A_1100 = arith.addf %mul3A_1098, %add3A_1099 : vector<32x2048xf32>
    %get3A_1101 = arith.constant 1 : index
    %get3A_1102 = arith.constant 0 : index
    %get3A_1103 = arith.constant 0 : index
    %get3A_1104 = vector.load %arg5[%get3A_1101, %get3A_1102, %get3A_1103] : memref<2x32x1xf32, #tpu.memory_space<vmem>>, vector<1x32x1xf32>
    %get3A_1105 = vector.shape_cast %get3A_1104 : vector<1x32x1xf32> to vector<32x1xf32>
    %get3A_1106 = arith.constant 1 : index
    %get3A_1107 = arith.constant 0 : index
    %get3A_1108 = arith.constant 0 : index
    %get3A_1109 = vector.load %arg6[%get3A_1106, %get3A_1107, %get3A_1108] : memref<2x32x1xf32, #tpu.memory_space<vmem>>, vector<1x32x1xf32>
    %get3A_1110 = vector.shape_cast %get3A_1109 : vector<1x32x1xf32> to vector<32x1xf32>
    %reduce_sum3A_1111 = arith.constant dense<0.000000e+00> : vector<2048xf32>
    %reduce_sum3A_1112 = vector.multi_reduction <add>, %add3A_872, %reduce_sum3A_1111 [0] : vector<32x2048xf32> to vector<2048xf32>
    %broadcast_in_dim3A_1113 = vector.shape_cast %reduce_sum3A_1112 : vector<2048xf32> to vector<1x2048xf32>
    %div3A_1114 = arith.constant 3.200000e+01 : f32
    %div3A_1115 = vector.broadcast %div3A_1114 : f32 to vector<1x2048xf32>
    %div3A_1116 = arith.divf %broadcast_in_dim3A_1113, %div3A_1115 : vector<1x2048xf32>
    %sub3A_1117 = vector.broadcast %div3A_1116 : vector<1x2048xf32> to vector<32x2048xf32>
    %sub3A_1118 = arith.subf %add3A_872, %sub3A_1117 : vector<32x2048xf32>
    %mul3A_1119 = arith.mulf %sub3A_1118, %sub3A_1118 : vector<32x2048xf32>
    %reduce_sum3A_1120 = arith.constant dense<0.000000e+00> : vector<2048xf32>
    %reduce_sum3A_1121 = vector.multi_reduction <add>, %mul3A_1119, %reduce_sum3A_1120 [0] : vector<32x2048xf32> to vector<2048xf32>
    %broadcast_in_dim3A_1122 = vector.shape_cast %reduce_sum3A_1121 : vector<2048xf32> to vector<1x2048xf32>
    %div3A_1123 = arith.constant 3.200000e+01 : f32
    %div3A_1124 = vector.broadcast %div3A_1123 : f32 to vector<1x2048xf32>
    %div3A_1125 = arith.divf %broadcast_in_dim3A_1122, %div3A_1124 : vector<1x2048xf32>
    %add3A_1126 = arith.constant 9.99999974E-6 : f32
    %add3A_1127 = vector.broadcast %add3A_1126 : f32 to vector<1x2048xf32>
    %add3A_1128 = arith.addf %div3A_1125, %add3A_1127 : vector<1x2048xf32>
    %sqrt3A_1129 = math.sqrt %add3A_1128 : vector<1x2048xf32>
    %div3A_1130 = vector.broadcast %sqrt3A_1129 : vector<1x2048xf32> to vector<32x2048xf32>
    %div3A_1131 = arith.divf %sub3A_1118, %div3A_1130 : vector<32x2048xf32>
    %mul3A_1132 = vector.broadcast %get3A_1105 : vector<32x1xf32> to vector<32x2048xf32>
    %mul3A_1133 = arith.mulf %div3A_1131, %mul3A_1132 : vector<32x2048xf32>
    %add3A_1134 = vector.broadcast %get3A_1110 : vector<32x1xf32> to vector<32x2048xf32>
    %add3A_1135 = arith.addf %mul3A_1133, %add3A_1134 : vector<32x2048xf32>
    %get3A_1136 = arith.constant 1 : index
    %get3A_1137 = arith.constant 0 : index
    %get3A_1138 = arith.constant 0 : index
    %get3A_1139 = vector.load %arg5[%get3A_1136, %get3A_1137, %get3A_1138] : memref<2x32x1xf32, #tpu.memory_space<vmem>>, vector<1x32x1xf32>
    %get3A_1140 = vector.shape_cast %get3A_1139 : vector<1x32x1xf32> to vector<32x1xf32>
    %get3A_1141 = arith.constant 1 : index
    %get3A_1142 = arith.constant 0 : index
    %get3A_1143 = arith.constant 0 : index
    %get3A_1144 = vector.load %arg6[%get3A_1141, %get3A_1142, %get3A_1143] : memref<2x32x1xf32, #tpu.memory_space<vmem>>, vector<1x32x1xf32>
    %get3A_1145 = vector.shape_cast %get3A_1144 : vector<1x32x1xf32> to vector<32x1xf32>
    %reduce_sum3A_1146 = arith.constant dense<0.000000e+00> : vector<2048xf32>
    %reduce_sum3A_1147 = vector.multi_reduction <add>, %add3A_933, %reduce_sum3A_1146 [0] : vector<32x2048xf32> to vector<2048xf32>
    %broadcast_in_dim3A_1148 = vector.shape_cast %reduce_sum3A_1147 : vector<2048xf32> to vector<1x2048xf32>
    %div3A_1149 = arith.constant 3.200000e+01 : f32
    %div3A_1150 = vector.broadcast %div3A_1149 : f32 to vector<1x2048xf32>
    %div3A_1151 = arith.divf %broadcast_in_dim3A_1148, %div3A_1150 : vector<1x2048xf32>
    %sub3A_1152 = vector.broadcast %div3A_1151 : vector<1x2048xf32> to vector<32x2048xf32>
    %sub3A_1153 = arith.subf %add3A_933, %sub3A_1152 : vector<32x2048xf32>
    %mul3A_1154 = arith.mulf %sub3A_1153, %sub3A_1153 : vector<32x2048xf32>
    %reduce_sum3A_1155 = arith.constant dense<0.000000e+00> : vector<2048xf32>
    %reduce_sum3A_1156 = vector.multi_reduction <add>, %mul3A_1154, %reduce_sum3A_1155 [0] : vector<32x2048xf32> to vector<2048xf32>
    %broadcast_in_dim3A_1157 = vector.shape_cast %reduce_sum3A_1156 : vector<2048xf32> to vector<1x2048xf32>
    %div3A_1158 = arith.constant 3.200000e+01 : f32
    %div3A_1159 = vector.broadcast %div3A_1158 : f32 to vector<1x2048xf32>
    %div3A_1160 = arith.divf %broadcast_in_dim3A_1157, %div3A_1159 : vector<1x2048xf32>
    %add3A_1161 = arith.constant 9.99999974E-6 : f32
    %add3A_1162 = vector.broadcast %add3A_1161 : f32 to vector<1x2048xf32>
    %add3A_1163 = arith.addf %div3A_1160, %add3A_1162 : vector<1x2048xf32>
    %sqrt3A_1164 = math.sqrt %add3A_1163 : vector<1x2048xf32>
    %div3A_1165 = vector.broadcast %sqrt3A_1164 : vector<1x2048xf32> to vector<32x2048xf32>
    %div3A_1166 = arith.divf %sub3A_1153, %div3A_1165 : vector<32x2048xf32>
    %mul3A_1167 = vector.broadcast %get3A_1140 : vector<32x1xf32> to vector<32x2048xf32>
    %mul3A_1168 = arith.mulf %div3A_1166, %mul3A_1167 : vector<32x2048xf32>
    %add3A_1169 = vector.broadcast %get3A_1145 : vector<32x1xf32> to vector<32x2048xf32>
    %add3A_1170 = arith.addf %mul3A_1168, %add3A_1169 : vector<32x2048xf32>
    %get3A_1171 = arith.constant 1 : index
    %get3A_1172 = arith.constant 0 : index
    %get3A_1173 = arith.constant 0 : index
    %get3A_1174 = vector.load %arg5[%get3A_1171, %get3A_1172, %get3A_1173] : memref<2x32x1xf32, #tpu.memory_space<vmem>>, vector<1x32x1xf32>
    %get3A_1175 = vector.shape_cast %get3A_1174 : vector<1x32x1xf32> to vector<32x1xf32>
    %get3A_1176 = arith.constant 1 : index
    %get3A_1177 = arith.constant 0 : index
    %get3A_1178 = arith.constant 0 : index
    %get3A_1179 = vector.load %arg6[%get3A_1176, %get3A_1177, %get3A_1178] : memref<2x32x1xf32, #tpu.memory_space<vmem>>, vector<1x32x1xf32>
    %get3A_1180 = vector.shape_cast %get3A_1179 : vector<1x32x1xf32> to vector<32x1xf32>
    %reduce_sum3A_1181 = arith.constant dense<0.000000e+00> : vector<2048xf32>
    %reduce_sum3A_1182 = vector.multi_reduction <add>, %add3A_994, %reduce_sum3A_1181 [0] : vector<32x2048xf32> to vector<2048xf32>
    %broadcast_in_dim3A_1183 = vector.shape_cast %reduce_sum3A_1182 : vector<2048xf32> to vector<1x2048xf32>
    %div3A_1184 = arith.constant 3.200000e+01 : f32
    %div3A_1185 = vector.broadcast %div3A_1184 : f32 to vector<1x2048xf32>
    %div3A_1186 = arith.divf %broadcast_in_dim3A_1183, %div3A_1185 : vector<1x2048xf32>
    %sub3A_1187 = vector.broadcast %div3A_1186 : vector<1x2048xf32> to vector<32x2048xf32>
    %sub3A_1188 = arith.subf %add3A_994, %sub3A_1187 : vector<32x2048xf32>
    %mul3A_1189 = arith.mulf %sub3A_1188, %sub3A_1188 : vector<32x2048xf32>
    %reduce_sum3A_1190 = arith.constant dense<0.000000e+00> : vector<2048xf32>
    %reduce_sum3A_1191 = vector.multi_reduction <add>, %mul3A_1189, %reduce_sum3A_1190 [0] : vector<32x2048xf32> to vector<2048xf32>
    %broadcast_in_dim3A_1192 = vector.shape_cast %reduce_sum3A_1191 : vector<2048xf32> to vector<1x2048xf32>
    %div3A_1193 = arith.constant 3.200000e+01 : f32
    %div3A_1194 = vector.broadcast %div3A_1193 : f32 to vector<1x2048xf32>
    %div3A_1195 = arith.divf %broadcast_in_dim3A_1192, %div3A_1194 : vector<1x2048xf32>
    %add3A_1196 = arith.constant 9.99999974E-6 : f32
    %add3A_1197 = vector.broadcast %add3A_1196 : f32 to vector<1x2048xf32>
    %add3A_1198 = arith.addf %div3A_1195, %add3A_1197 : vector<1x2048xf32>
    %sqrt3A_1199 = math.sqrt %add3A_1198 : vector<1x2048xf32>
    %div3A_1200 = vector.broadcast %sqrt3A_1199 : vector<1x2048xf32> to vector<32x2048xf32>
    %div3A_1201 = arith.divf %sub3A_1188, %div3A_1200 : vector<32x2048xf32>
    %mul3A_1202 = vector.broadcast %get3A_1175 : vector<32x1xf32> to vector<32x2048xf32>
    %mul3A_1203 = arith.mulf %div3A_1201, %mul3A_1202 : vector<32x2048xf32>
    %add3A_1204 = vector.broadcast %get3A_1180 : vector<32x1xf32> to vector<32x2048xf32>
    %add3A_1205 = arith.addf %mul3A_1203, %add3A_1204 : vector<32x2048xf32>
    %get3A_1206 = arith.constant 1 : index
    %get3A_1207 = arith.constant 0 : index
    %get3A_1208 = arith.constant 0 : index
    %get3A_1209 = vector.load %arg5[%get3A_1206, %get3A_1207, %get3A_1208] : memref<2x32x1xf32, #tpu.memory_space<vmem>>, vector<1x32x1xf32>
    %get3A_1210 = vector.shape_cast %get3A_1209 : vector<1x32x1xf32> to vector<32x1xf32>
    %get3A_1211 = arith.constant 1 : index
    %get3A_1212 = arith.constant 0 : index
    %get3A_1213 = arith.constant 0 : index
    %get3A_1214 = vector.load %arg6[%get3A_1211, %get3A_1212, %get3A_1213] : memref<2x32x1xf32, #tpu.memory_space<vmem>>, vector<1x32x1xf32>
    %get3A_1215 = vector.shape_cast %get3A_1214 : vector<1x32x1xf32> to vector<32x1xf32>
    %reduce_sum3A_1216 = arith.constant dense<0.000000e+00> : vector<2048xf32>
    %reduce_sum3A_1217 = vector.multi_reduction <add>, %add3A_1055, %reduce_sum3A_1216 [0] : vector<32x2048xf32> to vector<2048xf32>
    %broadcast_in_dim3A_1218 = vector.shape_cast %reduce_sum3A_1217 : vector<2048xf32> to vector<1x2048xf32>
    %div3A_1219 = arith.constant 3.200000e+01 : f32
    %div3A_1220 = vector.broadcast %div3A_1219 : f32 to vector<1x2048xf32>
    %div3A_1221 = arith.divf %broadcast_in_dim3A_1218, %div3A_1220 : vector<1x2048xf32>
    %sub3A_1222 = vector.broadcast %div3A_1221 : vector<1x2048xf32> to vector<32x2048xf32>
    %sub3A_1223 = arith.subf %add3A_1055, %sub3A_1222 : vector<32x2048xf32>
    %mul3A_1224 = arith.mulf %sub3A_1223, %sub3A_1223 : vector<32x2048xf32>
    %reduce_sum3A_1225 = arith.constant dense<0.000000e+00> : vector<2048xf32>
    %reduce_sum3A_1226 = vector.multi_reduction <add>, %mul3A_1224, %reduce_sum3A_1225 [0] : vector<32x2048xf32> to vector<2048xf32>
    %broadcast_in_dim3A_1227 = vector.shape_cast %reduce_sum3A_1226 : vector<2048xf32> to vector<1x2048xf32>
    %div3A_1228 = arith.constant 3.200000e+01 : f32
    %div3A_1229 = vector.broadcast %div3A_1228 : f32 to vector<1x2048xf32>
    %div3A_1230 = arith.divf %broadcast_in_dim3A_1227, %div3A_1229 : vector<1x2048xf32>
    %add3A_1231 = arith.constant 9.99999974E-6 : f32
    %add3A_1232 = vector.broadcast %add3A_1231 : f32 to vector<1x2048xf32>
    %add3A_1233 = arith.addf %div3A_1230, %add3A_1232 : vector<1x2048xf32>
    %sqrt3A_1234 = math.sqrt %add3A_1233 : vector<1x2048xf32>
    %div3A_1235 = vector.broadcast %sqrt3A_1234 : vector<1x2048xf32> to vector<32x2048xf32>
    %div3A_1236 = arith.divf %sub3A_1223, %div3A_1235 : vector<32x2048xf32>
    %mul3A_1237 = vector.broadcast %get3A_1210 : vector<32x1xf32> to vector<32x2048xf32>
    %mul3A_1238 = arith.mulf %div3A_1236, %mul3A_1237 : vector<32x2048xf32>
    %add3A_1239 = vector.broadcast %get3A_1215 : vector<32x1xf32> to vector<32x2048xf32>
    %add3A_1240 = arith.addf %mul3A_1238, %add3A_1239 : vector<32x2048xf32>
    %dot_general3A_1241 = arith.constant dense<0.000000e+00> : vector<96x2048xf32>
    %dot_general3A_1242 = tpu.matmul %get3A_1060, %add3A_1100, %dot_general3A_1241 {dimension_numbers = #tpu.dot_dimension_numbers<[0], [0], [1], [1], [0, 1, 1, 1], [], []>, transpose_lhs_hint = false} : vector<32x96xf32>, vector<32x2048xf32>, vector<96x2048xf32> -> vector<96x2048xf32>
    %add3A_1243 = vector.broadcast %get3A_1065 : vector<96x1xf32> to vector<96x2048xf32>
    %add3A_1244 = arith.addf %dot_general3A_1242, %add3A_1243 : vector<96x2048xf32>
    %dot_general3A_1245 = arith.constant dense<0.000000e+00> : vector<96x2048xf32>
    %dot_general3A_1246 = tpu.matmul %get3A_1060, %add3A_1135, %dot_general3A_1245 {dimension_numbers = #tpu.dot_dimension_numbers<[0], [0], [1], [1], [0, 1, 1, 1], [], []>, transpose_lhs_hint = false} : vector<32x96xf32>, vector<32x2048xf32>, vector<96x2048xf32> -> vector<96x2048xf32>
    %add3A_1247 = vector.broadcast %get3A_1065 : vector<96x1xf32> to vector<96x2048xf32>
    %add3A_1248 = arith.addf %dot_general3A_1246, %add3A_1247 : vector<96x2048xf32>
    %dot_general3A_1249 = arith.constant dense<0.000000e+00> : vector<96x2048xf32>
    %dot_general3A_1250 = tpu.matmul %get3A_1060, %add3A_1170, %dot_general3A_1249 {dimension_numbers = #tpu.dot_dimension_numbers<[0], [0], [1], [1], [0, 1, 1, 1], [], []>, transpose_lhs_hint = false} : vector<32x96xf32>, vector<32x2048xf32>, vector<96x2048xf32> -> vector<96x2048xf32>
    %add3A_1251 = vector.broadcast %get3A_1065 : vector<96x1xf32> to vector<96x2048xf32>
    %add3A_1252 = arith.addf %dot_general3A_1250, %add3A_1251 : vector<96x2048xf32>
    %dot_general3A_1253 = arith.constant dense<0.000000e+00> : vector<96x2048xf32>
    %dot_general3A_1254 = tpu.matmul %get3A_1060, %add3A_1205, %dot_general3A_1253 {dimension_numbers = #tpu.dot_dimension_numbers<[0], [0], [1], [1], [0, 1, 1, 1], [], []>, transpose_lhs_hint = false} : vector<32x96xf32>, vector<32x2048xf32>, vector<96x2048xf32> -> vector<96x2048xf32>
    %add3A_1255 = vector.broadcast %get3A_1065 : vector<96x1xf32> to vector<96x2048xf32>
    %add3A_1256 = arith.addf %dot_general3A_1254, %add3A_1255 : vector<96x2048xf32>
    %dot_general3A_1257 = arith.constant dense<0.000000e+00> : vector<96x2048xf32>
    %dot_general3A_1258 = tpu.matmul %get3A_1060, %add3A_1240, %dot_general3A_1257 {dimension_numbers = #tpu.dot_dimension_numbers<[0], [0], [1], [1], [0, 1, 1, 1], [], []>, transpose_lhs_hint = false} : vector<32x96xf32>, vector<32x2048xf32>, vector<96x2048xf32> -> vector<96x2048xf32>
    %add3A_1259 = vector.broadcast %get3A_1065 : vector<96x1xf32> to vector<96x2048xf32>
    %add3A_1260 = arith.addf %dot_general3A_1258, %add3A_1259 : vector<96x2048xf32>
    %slice3A_1261 = vector.extract_strided_slice %add3A_1260 {offsets = [0, 0], sizes = [32, 2048], strides = [1, 1]} : vector<96x2048xf32> to vector<32x2048xf32>
    %convert_element_type3A_1262 = arith.truncf %slice3A_1261 : vector<32x2048xf32> to vector<32x2048xbf16>
    %convert_element_type3A_1263 = arith.extf %convert_element_type3A_1262 : vector<32x2048xbf16> to vector<32x2048xf32>
    %slice3A_1264 = vector.extract_strided_slice %add3A_1244 {offsets = [32, 0], sizes = [32, 2048], strides = [1, 1]} : vector<96x2048xf32> to vector<32x2048xf32>
    %convert_element_type3A_1265 = arith.truncf %slice3A_1264 : vector<32x2048xf32> to vector<32x2048xbf16>
    %convert_element_type3A_1266 = arith.extf %convert_element_type3A_1265 : vector<32x2048xbf16> to vector<32x2048xf32>
    %slice3A_1267 = vector.extract_strided_slice %add3A_1248 {offsets = [32, 0], sizes = [32, 2048], strides = [1, 1]} : vector<96x2048xf32> to vector<32x2048xf32>
    %convert_element_type3A_1268 = arith.truncf %slice3A_1267 : vector<32x2048xf32> to vector<32x2048xbf16>
    %convert_element_type3A_1269 = arith.extf %convert_element_type3A_1268 : vector<32x2048xbf16> to vector<32x2048xf32>
    %slice3A_1270 = vector.extract_strided_slice %add3A_1252 {offsets = [32, 0], sizes = [32, 2048], strides = [1, 1]} : vector<96x2048xf32> to vector<32x2048xf32>
    %convert_element_type3A_1271 = arith.truncf %slice3A_1270 : vector<32x2048xf32> to vector<32x2048xbf16>
    %convert_element_type3A_1272 = arith.extf %convert_element_type3A_1271 : vector<32x2048xbf16> to vector<32x2048xf32>
    %slice3A_1273 = vector.extract_strided_slice %add3A_1256 {offsets = [32, 0], sizes = [32, 2048], strides = [1, 1]} : vector<96x2048xf32> to vector<32x2048xf32>
    %convert_element_type3A_1274 = arith.truncf %slice3A_1273 : vector<32x2048xf32> to vector<32x2048xbf16>
    %convert_element_type3A_1275 = arith.extf %convert_element_type3A_1274 : vector<32x2048xbf16> to vector<32x2048xf32>
    %slice3A_1276 = vector.extract_strided_slice %add3A_1260 {offsets = [32, 0], sizes = [32, 2048], strides = [1, 1]} : vector<96x2048xf32> to vector<32x2048xf32>
    %convert_element_type3A_1277 = arith.truncf %slice3A_1276 : vector<32x2048xf32> to vector<32x2048xbf16>
    %convert_element_type3A_1278 = arith.extf %convert_element_type3A_1277 : vector<32x2048xbf16> to vector<32x2048xf32>
    %slice3A_1279 = vector.extract_strided_slice %add3A_1244 {offsets = [64, 0], sizes = [32, 2048], strides = [1, 1]} : vector<96x2048xf32> to vector<32x2048xf32>
    %convert_element_type3A_1280 = arith.truncf %slice3A_1279 : vector<32x2048xf32> to vector<32x2048xbf16>
    %convert_element_type3A_1281 = arith.extf %convert_element_type3A_1280 : vector<32x2048xbf16> to vector<32x2048xf32>
    %slice3A_1282 = vector.extract_strided_slice %add3A_1248 {offsets = [64, 0], sizes = [32, 2048], strides = [1, 1]} : vector<96x2048xf32> to vector<32x2048xf32>
    %convert_element_type3A_1283 = arith.truncf %slice3A_1282 : vector<32x2048xf32> to vector<32x2048xbf16>
    %convert_element_type3A_1284 = arith.extf %convert_element_type3A_1283 : vector<32x2048xbf16> to vector<32x2048xf32>
    %slice3A_1285 = vector.extract_strided_slice %add3A_1252 {offsets = [64, 0], sizes = [32, 2048], strides = [1, 1]} : vector<96x2048xf32> to vector<32x2048xf32>
    %convert_element_type3A_1286 = arith.truncf %slice3A_1285 : vector<32x2048xf32> to vector<32x2048xbf16>
    %convert_element_type3A_1287 = arith.extf %convert_element_type3A_1286 : vector<32x2048xbf16> to vector<32x2048xf32>
    %slice3A_1288 = vector.extract_strided_slice %add3A_1256 {offsets = [64, 0], sizes = [32, 2048], strides = [1, 1]} : vector<96x2048xf32> to vector<32x2048xf32>
    %convert_element_type3A_1289 = arith.truncf %slice3A_1288 : vector<32x2048xf32> to vector<32x2048xbf16>
    %convert_element_type3A_1290 = arith.extf %convert_element_type3A_1289 : vector<32x2048xbf16> to vector<32x2048xf32>
    %slice3A_1291 = vector.extract_strided_slice %add3A_1260 {offsets = [64, 0], sizes = [32, 2048], strides = [1, 1]} : vector<96x2048xf32> to vector<32x2048xf32>
    %convert_element_type3A_1292 = arith.truncf %slice3A_1291 : vector<32x2048xf32> to vector<32x2048xbf16>
    %convert_element_type3A_1293 = arith.extf %convert_element_type3A_1292 : vector<32x2048xbf16> to vector<32x2048xf32>
    %mul3A_1294 = arith.mulf %convert_element_type3A_1263, %convert_element_type3A_1266 : vector<32x2048xf32>
    %reshape3A_1295 = vector.shape_cast %mul3A_1294 : vector<32x2048xf32> to vector<16x2x2048xf32>
    %reduce_sum3A_1296 = arith.constant dense<0.000000e+00> : vector<16x2048xf32>
    %reduce_sum3A_1297 = vector.multi_reduction <add>, %reshape3A_1295, %reduce_sum3A_1296 [1] : vector<16x2x2048xf32> to vector<16x2048xf32>
    %reshape3A_1298 = vector.shape_cast %reduce_sum3A_1297 : vector<16x2048xf32> to vector<8x2x2048xf32>
    %reduce_sum3A_1299 = arith.constant dense<0.000000e+00> : vector<8x2048xf32>
    %reduce_sum3A_1300 = vector.multi_reduction <add>, %reshape3A_1298, %reduce_sum3A_1299 [1] : vector<8x2x2048xf32> to vector<8x2048xf32>
    %reshape3A_1301 = vector.shape_cast %reduce_sum3A_1300 : vector<8x2048xf32> to vector<4x2x2048xf32>
    %reduce_sum3A_1302 = arith.constant dense<0.000000e+00> : vector<4x2048xf32>
    %reduce_sum3A_1303 = vector.multi_reduction <add>, %reshape3A_1301, %reduce_sum3A_1302 [1] : vector<4x2x2048xf32> to vector<4x2048xf32>
    %div3A_1304 = vector.broadcast %sqrt3A_97 : f32 to vector<4x2048xf32>
    %div3A_1305 = arith.divf %reduce_sum3A_1303, %div3A_1304 : vector<4x2048xf32>
    %mul3A_1306 = arith.mulf %convert_element_type3A_1263, %convert_element_type3A_1269 : vector<32x2048xf32>
    %reshape3A_1307 = vector.shape_cast %mul3A_1306 : vector<32x2048xf32> to vector<16x2x2048xf32>
    %reduce_sum3A_1308 = arith.constant dense<0.000000e+00> : vector<16x2048xf32>
    %reduce_sum3A_1309 = vector.multi_reduction <add>, %reshape3A_1307, %reduce_sum3A_1308 [1] : vector<16x2x2048xf32> to vector<16x2048xf32>
    %reshape3A_1310 = vector.shape_cast %reduce_sum3A_1309 : vector<16x2048xf32> to vector<8x2x2048xf32>
    %reduce_sum3A_1311 = arith.constant dense<0.000000e+00> : vector<8x2048xf32>
    %reduce_sum3A_1312 = vector.multi_reduction <add>, %reshape3A_1310, %reduce_sum3A_1311 [1] : vector<8x2x2048xf32> to vector<8x2048xf32>
    %reshape3A_1313 = vector.shape_cast %reduce_sum3A_1312 : vector<8x2048xf32> to vector<4x2x2048xf32>
    %reduce_sum3A_1314 = arith.constant dense<0.000000e+00> : vector<4x2048xf32>
    %reduce_sum3A_1315 = vector.multi_reduction <add>, %reshape3A_1313, %reduce_sum3A_1314 [1] : vector<4x2x2048xf32> to vector<4x2048xf32>
    %div3A_1316 = vector.broadcast %sqrt3A_97 : f32 to vector<4x2048xf32>
    %div3A_1317 = arith.divf %reduce_sum3A_1315, %div3A_1316 : vector<4x2048xf32>
    %mul3A_1318 = arith.mulf %convert_element_type3A_1263, %convert_element_type3A_1272 : vector<32x2048xf32>
    %reshape3A_1319 = vector.shape_cast %mul3A_1318 : vector<32x2048xf32> to vector<16x2x2048xf32>
    %reduce_sum3A_1320 = arith.constant dense<0.000000e+00> : vector<16x2048xf32>
    %reduce_sum3A_1321 = vector.multi_reduction <add>, %reshape3A_1319, %reduce_sum3A_1320 [1] : vector<16x2x2048xf32> to vector<16x2048xf32>
    %reshape3A_1322 = vector.shape_cast %reduce_sum3A_1321 : vector<16x2048xf32> to vector<8x2x2048xf32>
    %reduce_sum3A_1323 = arith.constant dense<0.000000e+00> : vector<8x2048xf32>
    %reduce_sum3A_1324 = vector.multi_reduction <add>, %reshape3A_1322, %reduce_sum3A_1323 [1] : vector<8x2x2048xf32> to vector<8x2048xf32>
    %reshape3A_1325 = vector.shape_cast %reduce_sum3A_1324 : vector<8x2048xf32> to vector<4x2x2048xf32>
    %reduce_sum3A_1326 = arith.constant dense<0.000000e+00> : vector<4x2048xf32>
    %reduce_sum3A_1327 = vector.multi_reduction <add>, %reshape3A_1325, %reduce_sum3A_1326 [1] : vector<4x2x2048xf32> to vector<4x2048xf32>
    %div3A_1328 = vector.broadcast %sqrt3A_97 : f32 to vector<4x2048xf32>
    %div3A_1329 = arith.divf %reduce_sum3A_1327, %div3A_1328 : vector<4x2048xf32>
    %mul3A_1330 = arith.mulf %convert_element_type3A_1263, %convert_element_type3A_1275 : vector<32x2048xf32>
    %reshape3A_1331 = vector.shape_cast %mul3A_1330 : vector<32x2048xf32> to vector<16x2x2048xf32>
    %reduce_sum3A_1332 = arith.constant dense<0.000000e+00> : vector<16x2048xf32>
    %reduce_sum3A_1333 = vector.multi_reduction <add>, %reshape3A_1331, %reduce_sum3A_1332 [1] : vector<16x2x2048xf32> to vector<16x2048xf32>
    %reshape3A_1334 = vector.shape_cast %reduce_sum3A_1333 : vector<16x2048xf32> to vector<8x2x2048xf32>
    %reduce_sum3A_1335 = arith.constant dense<0.000000e+00> : vector<8x2048xf32>
    %reduce_sum3A_1336 = vector.multi_reduction <add>, %reshape3A_1334, %reduce_sum3A_1335 [1] : vector<8x2x2048xf32> to vector<8x2048xf32>
    %reshape3A_1337 = vector.shape_cast %reduce_sum3A_1336 : vector<8x2048xf32> to vector<4x2x2048xf32>
    %reduce_sum3A_1338 = arith.constant dense<0.000000e+00> : vector<4x2048xf32>
    %reduce_sum3A_1339 = vector.multi_reduction <add>, %reshape3A_1337, %reduce_sum3A_1338 [1] : vector<4x2x2048xf32> to vector<4x2048xf32>
    %div3A_1340 = vector.broadcast %sqrt3A_97 : f32 to vector<4x2048xf32>
    %div3A_1341 = arith.divf %reduce_sum3A_1339, %div3A_1340 : vector<4x2048xf32>
    %mul3A_1342 = arith.mulf %convert_element_type3A_1263, %convert_element_type3A_1278 : vector<32x2048xf32>
    %reshape3A_1343 = vector.shape_cast %mul3A_1342 : vector<32x2048xf32> to vector<16x2x2048xf32>
    %reduce_sum3A_1344 = arith.constant dense<0.000000e+00> : vector<16x2048xf32>
    %reduce_sum3A_1345 = vector.multi_reduction <add>, %reshape3A_1343, %reduce_sum3A_1344 [1] : vector<16x2x2048xf32> to vector<16x2048xf32>
    %reshape3A_1346 = vector.shape_cast %reduce_sum3A_1345 : vector<16x2048xf32> to vector<8x2x2048xf32>
    %reduce_sum3A_1347 = arith.constant dense<0.000000e+00> : vector<8x2048xf32>
    %reduce_sum3A_1348 = vector.multi_reduction <add>, %reshape3A_1346, %reduce_sum3A_1347 [1] : vector<8x2x2048xf32> to vector<8x2048xf32>
    %reshape3A_1349 = vector.shape_cast %reduce_sum3A_1348 : vector<8x2048xf32> to vector<4x2x2048xf32>
    %reduce_sum3A_1350 = arith.constant dense<0.000000e+00> : vector<4x2048xf32>
    %reduce_sum3A_1351 = vector.multi_reduction <add>, %reshape3A_1349, %reduce_sum3A_1350 [1] : vector<4x2x2048xf32> to vector<4x2048xf32>
    %div3A_1352 = vector.broadcast %sqrt3A_97 : f32 to vector<4x2048xf32>
    %div3A_1353 = arith.divf %reduce_sum3A_1351, %div3A_1352 : vector<4x2048xf32>
    %max3A_1354 = arith.maximumf %div3A_1305, %div3A_1317 : vector<4x2048xf32>
    %max3A_1355 = arith.maximumf %max3A_1354, %div3A_1329 : vector<4x2048xf32>
    %max3A_1356 = arith.maximumf %max3A_1355, %div3A_1341 : vector<4x2048xf32>
    %max3A_1357 = arith.maximumf %max3A_1356, %div3A_1353 : vector<4x2048xf32>
    %sub3A_1358 = arith.subf %div3A_1305, %max3A_1357 : vector<4x2048xf32>
    %exp3A_1359 = math.exp %sub3A_1358 : vector<4x2048xf32>
    %sub3A_1360 = arith.subf %div3A_1317, %max3A_1357 : vector<4x2048xf32>
    %exp3A_1361 = math.exp %sub3A_1360 : vector<4x2048xf32>
    %sub3A_1362 = arith.subf %div3A_1329, %max3A_1357 : vector<4x2048xf32>
    %exp3A_1363 = math.exp %sub3A_1362 : vector<4x2048xf32>
    %sub3A_1364 = arith.subf %div3A_1341, %max3A_1357 : vector<4x2048xf32>
    %exp3A_1365 = math.exp %sub3A_1364 : vector<4x2048xf32>
    %sub3A_1366 = arith.subf %div3A_1353, %max3A_1357 : vector<4x2048xf32>
    %exp3A_1367 = math.exp %sub3A_1366 : vector<4x2048xf32>
    %add3A_1368 = arith.addf %exp3A_1359, %exp3A_1367 : vector<4x2048xf32>
    %add3A_1369 = arith.addf %add3A_1368, %exp3A_1363 : vector<4x2048xf32>
    %add3A_1370 = arith.addf %exp3A_1361, %exp3A_1365 : vector<4x2048xf32>
    %add3A_1371 = arith.addf %add3A_1369, %add3A_1370 : vector<4x2048xf32>
    %div3A_1372 = arith.divf %exp3A_1359, %add3A_1371 : vector<4x2048xf32>
    %convert_element_type3A_1373 = arith.truncf %div3A_1372 : vector<4x2048xf32> to vector<4x2048xbf16>
    %convert_element_type3A_1374 = arith.extf %convert_element_type3A_1373 : vector<4x2048xbf16> to vector<4x2048xf32>
    %broadcast_in_dim3A_1375 = vector.shape_cast %convert_element_type3A_1374 : vector<4x2048xf32> to vector<4x1x2048xf32>
    %broadcast_in_dim3A_1376 = vector.shape_cast %broadcast_in_dim3A_1375 : vector<4x1x2048xf32> to vector<4x1x2048xf32>
    %broadcast_in_dim3A_1377 = vector.broadcast %broadcast_in_dim3A_1376 : vector<4x1x2048xf32> to vector<4x8x2048xf32>
    %reshape3A_1378 = vector.shape_cast %broadcast_in_dim3A_1377 : vector<4x8x2048xf32> to vector<32x2048xf32>
    %mul3A_1379 = arith.mulf %reshape3A_1378, %convert_element_type3A_1281 : vector<32x2048xf32>
    %div3A_1380 = arith.divf %exp3A_1361, %add3A_1371 : vector<4x2048xf32>
    %convert_element_type3A_1381 = arith.truncf %div3A_1380 : vector<4x2048xf32> to vector<4x2048xbf16>
    %convert_element_type3A_1382 = arith.extf %convert_element_type3A_1381 : vector<4x2048xbf16> to vector<4x2048xf32>
    %broadcast_in_dim3A_1383 = vector.shape_cast %convert_element_type3A_1382 : vector<4x2048xf32> to vector<4x1x2048xf32>
    %broadcast_in_dim3A_1384 = vector.shape_cast %broadcast_in_dim3A_1383 : vector<4x1x2048xf32> to vector<4x1x2048xf32>
    %broadcast_in_dim3A_1385 = vector.broadcast %broadcast_in_dim3A_1384 : vector<4x1x2048xf32> to vector<4x8x2048xf32>
    %reshape3A_1386 = vector.shape_cast %broadcast_in_dim3A_1385 : vector<4x8x2048xf32> to vector<32x2048xf32>
    %mul3A_1387 = arith.mulf %reshape3A_1386, %convert_element_type3A_1284 : vector<32x2048xf32>
    %div3A_1388 = arith.divf %exp3A_1363, %add3A_1371 : vector<4x2048xf32>
    %convert_element_type3A_1389 = arith.truncf %div3A_1388 : vector<4x2048xf32> to vector<4x2048xbf16>
    %convert_element_type3A_1390 = arith.extf %convert_element_type3A_1389 : vector<4x2048xbf16> to vector<4x2048xf32>
    %broadcast_in_dim3A_1391 = vector.shape_cast %convert_element_type3A_1390 : vector<4x2048xf32> to vector<4x1x2048xf32>
    %broadcast_in_dim3A_1392 = vector.shape_cast %broadcast_in_dim3A_1391 : vector<4x1x2048xf32> to vector<4x1x2048xf32>
    %broadcast_in_dim3A_1393 = vector.broadcast %broadcast_in_dim3A_1392 : vector<4x1x2048xf32> to vector<4x8x2048xf32>
    %reshape3A_1394 = vector.shape_cast %broadcast_in_dim3A_1393 : vector<4x8x2048xf32> to vector<32x2048xf32>
    %mul3A_1395 = arith.mulf %reshape3A_1394, %convert_element_type3A_1287 : vector<32x2048xf32>
    %div3A_1396 = arith.divf %exp3A_1365, %add3A_1371 : vector<4x2048xf32>
    %convert_element_type3A_1397 = arith.truncf %div3A_1396 : vector<4x2048xf32> to vector<4x2048xbf16>
    %convert_element_type3A_1398 = arith.extf %convert_element_type3A_1397 : vector<4x2048xbf16> to vector<4x2048xf32>
    %broadcast_in_dim3A_1399 = vector.shape_cast %convert_element_type3A_1398 : vector<4x2048xf32> to vector<4x1x2048xf32>
    %broadcast_in_dim3A_1400 = vector.shape_cast %broadcast_in_dim3A_1399 : vector<4x1x2048xf32> to vector<4x1x2048xf32>
    %broadcast_in_dim3A_1401 = vector.broadcast %broadcast_in_dim3A_1400 : vector<4x1x2048xf32> to vector<4x8x2048xf32>
    %reshape3A_1402 = vector.shape_cast %broadcast_in_dim3A_1401 : vector<4x8x2048xf32> to vector<32x2048xf32>
    %mul3A_1403 = arith.mulf %reshape3A_1402, %convert_element_type3A_1290 : vector<32x2048xf32>
    %div3A_1404 = arith.divf %exp3A_1367, %add3A_1371 : vector<4x2048xf32>
    %convert_element_type3A_1405 = arith.truncf %div3A_1404 : vector<4x2048xf32> to vector<4x2048xbf16>
    %convert_element_type3A_1406 = arith.extf %convert_element_type3A_1405 : vector<4x2048xbf16> to vector<4x2048xf32>
    %broadcast_in_dim3A_1407 = vector.shape_cast %convert_element_type3A_1406 : vector<4x2048xf32> to vector<4x1x2048xf32>
    %broadcast_in_dim3A_1408 = vector.shape_cast %broadcast_in_dim3A_1407 : vector<4x1x2048xf32> to vector<4x1x2048xf32>
    %broadcast_in_dim3A_1409 = vector.broadcast %broadcast_in_dim3A_1408 : vector<4x1x2048xf32> to vector<4x8x2048xf32>
    %reshape3A_1410 = vector.shape_cast %broadcast_in_dim3A_1409 : vector<4x8x2048xf32> to vector<32x2048xf32>
    %mul3A_1411 = arith.mulf %reshape3A_1410, %convert_element_type3A_1293 : vector<32x2048xf32>
    %add3A_1412 = arith.addf %mul3A_1379, %mul3A_1411 : vector<32x2048xf32>
    %add3A_1413 = arith.addf %add3A_1412, %mul3A_1395 : vector<32x2048xf32>
    %add3A_1414 = arith.addf %mul3A_1387, %mul3A_1403 : vector<32x2048xf32>
    %add3A_1415 = arith.addf %add3A_1413, %add3A_1414 : vector<32x2048xf32>
    %get3A_1416 = arith.constant 1 : index
    %get3A_1417 = arith.constant 0 : index
    %get3A_1418 = arith.constant 0 : index
    %get3A_1419 = vector.load %arg9[%get3A_1416, %get3A_1417, %get3A_1418] : memref<2x32x32xf32, #tpu.memory_space<vmem>>, vector<1x32x32xf32>
    %get3A_1420 = vector.shape_cast %get3A_1419 : vector<1x32x32xf32> to vector<32x32xf32>
    %get3A_1421 = arith.constant 1 : index
    %get3A_1422 = arith.constant 0 : index
    %get3A_1423 = arith.constant 0 : index
    %get3A_1424 = vector.load %arg10[%get3A_1421, %get3A_1422, %get3A_1423] : memref<2x32x1xf32, #tpu.memory_space<vmem>>, vector<1x32x1xf32>
    %get3A_1425 = vector.shape_cast %get3A_1424 : vector<1x32x1xf32> to vector<32x1xf32>
    %dot_general3A_1426 = arith.constant dense<0.000000e+00> : vector<32x2048xf32>
    %dot_general3A_1427 = tpu.matmul %get3A_1420, %add3A_1415, %dot_general3A_1426 {dimension_numbers = #tpu.dot_dimension_numbers<[0], [0], [1], [1], [0, 1, 1, 1], [], []>, transpose_lhs_hint = false} : vector<32x32xf32>, vector<32x2048xf32>, vector<32x2048xf32> -> vector<32x2048xf32>
    %add3A_1428 = arith.addf %add3A_1055, %dot_general3A_1427 : vector<32x2048xf32>
    %add3A_1429 = vector.broadcast %get3A_1425 : vector<32x1xf32> to vector<32x2048xf32>
    %add3A_1430 = arith.addf %add3A_1428, %add3A_1429 : vector<32x2048xf32>
    %get3A_1431 = arith.constant 1 : index
    %get3A_1432 = arith.constant 0 : index
    %get3A_1433 = arith.constant 0 : index
    %get3A_1434 = vector.load %arg13[%get3A_1431, %get3A_1432, %get3A_1433] : memref<2x32x128xf32, #tpu.memory_space<vmem>>, vector<1x32x128xf32>
    %get3A_1435 = vector.shape_cast %get3A_1434 : vector<1x32x128xf32> to vector<32x128xf32>
    %get3A_1436 = arith.constant 1 : index
    %get3A_1437 = arith.constant 0 : index
    %get3A_1438 = arith.constant 0 : index
    %get3A_1439 = vector.load %arg14[%get3A_1436, %get3A_1437, %get3A_1438] : memref<2x128x1xf32, #tpu.memory_space<vmem>>, vector<1x128x1xf32>
    %get3A_1440 = vector.shape_cast %get3A_1439 : vector<1x128x1xf32> to vector<128x1xf32>
    %get3A_1441 = arith.constant 1 : index
    %get3A_1442 = arith.constant 0 : index
    %get3A_1443 = arith.constant 0 : index
    %get3A_1444 = vector.load %arg15[%get3A_1441, %get3A_1442, %get3A_1443] : memref<2x128x32xf32, #tpu.memory_space<vmem>>, vector<1x128x32xf32>
    %get3A_1445 = vector.shape_cast %get3A_1444 : vector<1x128x32xf32> to vector<128x32xf32>
    %get3A_1446 = arith.constant 1 : index
    %get3A_1447 = arith.constant 0 : index
    %get3A_1448 = arith.constant 0 : index
    %get3A_1449 = vector.load %arg16[%get3A_1446, %get3A_1447, %get3A_1448] : memref<2x32x1xf32, #tpu.memory_space<vmem>>, vector<1x32x1xf32>
    %get3A_1450 = vector.shape_cast %get3A_1449 : vector<1x32x1xf32> to vector<32x1xf32>
    %get3A_1451 = arith.constant 1 : index
    %get3A_1452 = arith.constant 0 : index
    %get3A_1453 = arith.constant 0 : index
    %get3A_1454 = vector.load %arg11[%get3A_1451, %get3A_1452, %get3A_1453] : memref<2x32x1xf32, #tpu.memory_space<vmem>>, vector<1x32x1xf32>
    %get3A_1455 = vector.shape_cast %get3A_1454 : vector<1x32x1xf32> to vector<32x1xf32>
    %get3A_1456 = arith.constant 1 : index
    %get3A_1457 = arith.constant 0 : index
    %get3A_1458 = arith.constant 0 : index
    %get3A_1459 = vector.load %arg12[%get3A_1456, %get3A_1457, %get3A_1458] : memref<2x32x1xf32, #tpu.memory_space<vmem>>, vector<1x32x1xf32>
    %get3A_1460 = vector.shape_cast %get3A_1459 : vector<1x32x1xf32> to vector<32x1xf32>
    %reduce_sum3A_1461 = arith.constant dense<0.000000e+00> : vector<2048xf32>
    %reduce_sum3A_1462 = vector.multi_reduction <add>, %add3A_1430, %reduce_sum3A_1461 [0] : vector<32x2048xf32> to vector<2048xf32>
    %broadcast_in_dim3A_1463 = vector.shape_cast %reduce_sum3A_1462 : vector<2048xf32> to vector<1x2048xf32>
    %div3A_1464 = arith.constant 3.200000e+01 : f32
    %div3A_1465 = vector.broadcast %div3A_1464 : f32 to vector<1x2048xf32>
    %div3A_1466 = arith.divf %broadcast_in_dim3A_1463, %div3A_1465 : vector<1x2048xf32>
    %sub3A_1467 = vector.broadcast %div3A_1466 : vector<1x2048xf32> to vector<32x2048xf32>
    %sub3A_1468 = arith.subf %add3A_1430, %sub3A_1467 : vector<32x2048xf32>
    %mul3A_1469 = arith.mulf %sub3A_1468, %sub3A_1468 : vector<32x2048xf32>
    %reduce_sum3A_1470 = arith.constant dense<0.000000e+00> : vector<2048xf32>
    %reduce_sum3A_1471 = vector.multi_reduction <add>, %mul3A_1469, %reduce_sum3A_1470 [0] : vector<32x2048xf32> to vector<2048xf32>
    %broadcast_in_dim3A_1472 = vector.shape_cast %reduce_sum3A_1471 : vector<2048xf32> to vector<1x2048xf32>
    %div3A_1473 = arith.constant 3.200000e+01 : f32
    %div3A_1474 = vector.broadcast %div3A_1473 : f32 to vector<1x2048xf32>
    %div3A_1475 = arith.divf %broadcast_in_dim3A_1472, %div3A_1474 : vector<1x2048xf32>
    %add3A_1476 = arith.constant 9.99999974E-6 : f32
    %add3A_1477 = vector.broadcast %add3A_1476 : f32 to vector<1x2048xf32>
    %add3A_1478 = arith.addf %div3A_1475, %add3A_1477 : vector<1x2048xf32>
    %sqrt3A_1479 = math.sqrt %add3A_1478 : vector<1x2048xf32>
    %div3A_1480 = vector.broadcast %sqrt3A_1479 : vector<1x2048xf32> to vector<32x2048xf32>
    %div3A_1481 = arith.divf %sub3A_1468, %div3A_1480 : vector<32x2048xf32>
    %mul3A_1482 = vector.broadcast %get3A_1455 : vector<32x1xf32> to vector<32x2048xf32>
    %mul3A_1483 = arith.mulf %div3A_1481, %mul3A_1482 : vector<32x2048xf32>
    %add3A_1484 = vector.broadcast %get3A_1460 : vector<32x1xf32> to vector<32x2048xf32>
    %add3A_1485 = arith.addf %mul3A_1483, %add3A_1484 : vector<32x2048xf32>
    %dot_general3A_1486 = arith.constant dense<0.000000e+00> : vector<128x2048xf32>
    %dot_general3A_1487 = tpu.matmul %get3A_1435, %add3A_1485, %dot_general3A_1486 {dimension_numbers = #tpu.dot_dimension_numbers<[0], [0], [1], [1], [0, 1, 1, 1], [], []>, transpose_lhs_hint = false} : vector<32x128xf32>, vector<32x2048xf32>, vector<128x2048xf32> -> vector<128x2048xf32>
    %add3A_1488 = vector.broadcast %get3A_1440 : vector<128x1xf32> to vector<128x2048xf32>
    %add3A_1489 = arith.addf %dot_general3A_1487, %add3A_1488 : vector<128x2048xf32>
    %integer_pow3A_1490 = arith.mulf %add3A_1489, %add3A_1489 : vector<128x2048xf32>
    %integer_pow3A_1491 = arith.mulf %add3A_1489, %integer_pow3A_1490 : vector<128x2048xf32>
    %mul3A_1492 = arith.constant 4.471500e-02 : f32
    %mul3A_1493 = vector.broadcast %mul3A_1492 : f32 to vector<128x2048xf32>
    %mul3A_1494 = arith.mulf %mul3A_1493, %integer_pow3A_1491 : vector<128x2048xf32>
    %add3A_1495 = arith.addf %add3A_1489, %mul3A_1494 : vector<128x2048xf32>
    %mul3A_1496 = arith.constant 0.797884583 : f32
    %mul3A_1497 = vector.broadcast %mul3A_1496 : f32 to vector<128x2048xf32>
    %mul3A_1498 = arith.mulf %mul3A_1497, %add3A_1495 : vector<128x2048xf32>
    %tanh3A_1499 = math.tanh %mul3A_1498 : vector<128x2048xf32>
    %add3A_1500 = arith.constant 1.000000e+00 : f32
    %add3A_1501 = vector.broadcast %add3A_1500 : f32 to vector<128x2048xf32>
    %add3A_1502 = arith.addf %add3A_1501, %tanh3A_1499 : vector<128x2048xf32>
    %mul3A_1503 = arith.constant 5.000000e-01 : f32
    %mul3A_1504 = vector.broadcast %mul3A_1503 : f32 to vector<128x2048xf32>
    %mul3A_1505 = arith.mulf %mul3A_1504, %add3A_1502 : vector<128x2048xf32>
    %mul3A_1506 = arith.mulf %add3A_1489, %mul3A_1505 : vector<128x2048xf32>
    %dot_general3A_1507 = arith.constant dense<0.000000e+00> : vector<32x2048xf32>
    %dot_general3A_1508 = tpu.matmul %get3A_1445, %mul3A_1506, %dot_general3A_1507 {dimension_numbers = #tpu.dot_dimension_numbers<[0], [0], [1], [1], [0, 1, 1, 1], [], []>, transpose_lhs_hint = false} : vector<128x32xf32>, vector<128x2048xf32>, vector<32x2048xf32> -> vector<32x2048xf32>
    %add3A_1509 = arith.addf %add3A_1430, %dot_general3A_1508 : vector<32x2048xf32>
    %add3A_1510 = vector.broadcast %get3A_1450 : vector<32x1xf32> to vector<32x2048xf32>
    %add3A_1511 = arith.addf %add3A_1509, %add3A_1510 : vector<32x2048xf32>
    %get3A_1512 = arith.constant 0 : index
    %get3A_1513 = arith.constant 0 : index
    %get3A_1514 = vector.load %arg17[%get3A_1512, %get3A_1513] : memref<32x1xf32, #tpu.memory_space<vmem>>, vector<32x1xf32>
    %get3A_1515 = arith.constant 0 : index
    %get3A_1516 = arith.constant 0 : index
    %get3A_1517 = vector.load %arg18[%get3A_1515, %get3A_1516] : memref<32x1xf32, #tpu.memory_space<vmem>>, vector<32x1xf32>
    %reduce_sum3A_1518 = arith.constant dense<0.000000e+00> : vector<2048xf32>
    %reduce_sum3A_1519 = vector.multi_reduction <add>, %add3A_1511, %reduce_sum3A_1518 [0] : vector<32x2048xf32> to vector<2048xf32>
    %broadcast_in_dim3A_1520 = vector.shape_cast %reduce_sum3A_1519 : vector<2048xf32> to vector<1x2048xf32>
    %div3A_1521 = arith.constant 3.200000e+01 : f32
    %div3A_1522 = vector.broadcast %div3A_1521 : f32 to vector<1x2048xf32>
    %div3A_1523 = arith.divf %broadcast_in_dim3A_1520, %div3A_1522 : vector<1x2048xf32>
    %sub3A_1524 = vector.broadcast %div3A_1523 : vector<1x2048xf32> to vector<32x2048xf32>
    %sub3A_1525 = arith.subf %add3A_1511, %sub3A_1524 : vector<32x2048xf32>
    %mul3A_1526 = arith.mulf %sub3A_1525, %sub3A_1525 : vector<32x2048xf32>
    %reduce_sum3A_1527 = arith.constant dense<0.000000e+00> : vector<2048xf32>
    %reduce_sum3A_1528 = vector.multi_reduction <add>, %mul3A_1526, %reduce_sum3A_1527 [0] : vector<32x2048xf32> to vector<2048xf32>
    %broadcast_in_dim3A_1529 = vector.shape_cast %reduce_sum3A_1528 : vector<2048xf32> to vector<1x2048xf32>
    %div3A_1530 = arith.constant 3.200000e+01 : f32
    %div3A_1531 = vector.broadcast %div3A_1530 : f32 to vector<1x2048xf32>
    %div3A_1532 = arith.divf %broadcast_in_dim3A_1529, %div3A_1531 : vector<1x2048xf32>
    %add3A_1533 = arith.constant 9.99999974E-6 : f32
    %add3A_1534 = vector.broadcast %add3A_1533 : f32 to vector<1x2048xf32>
    %add3A_1535 = arith.addf %div3A_1532, %add3A_1534 : vector<1x2048xf32>
    %sqrt3A_1536 = math.sqrt %add3A_1535 : vector<1x2048xf32>
    %div3A_1537 = vector.broadcast %sqrt3A_1536 : vector<1x2048xf32> to vector<32x2048xf32>
    %div3A_1538 = arith.divf %sub3A_1525, %div3A_1537 : vector<32x2048xf32>
    %mul3A_1539 = vector.broadcast %get3A_1514 : vector<32x1xf32> to vector<32x2048xf32>
    %mul3A_1540 = arith.mulf %div3A_1538, %mul3A_1539 : vector<32x2048xf32>
    %add3A_1541 = vector.broadcast %get3A_1517 : vector<32x1xf32> to vector<32x2048xf32>
    %add3A_1542 = arith.addf %mul3A_1540, %add3A_1541 : vector<32x2048xf32>
    %get3A_1543 = arith.constant 0 : index
    %get3A_1544 = arith.constant 0 : index
    %get3A_1545 = vector.load %arg19[%get3A_1543, %get3A_1544] : memref<32x16xf32, #tpu.memory_space<vmem>>, vector<32x16xf32>
    %dot_general3A_1546 = arith.constant dense<0.000000e+00> : vector<16x2048xf32>
    %dot_general3A_1547 = tpu.matmul %get3A_1545, %add3A_1542, %dot_general3A_1546 {dimension_numbers = #tpu.dot_dimension_numbers<[0], [0], [1], [1], [0, 1, 1, 1], [], []>, transpose_lhs_hint = false} : vector<32x16xf32>, vector<32x2048xf32>, vector<16x2048xf32> -> vector<16x2048xf32>
    %get3A_1548 = arith.constant 0 : index
    %get3A_1549 = arith.constant 0 : index
    %get3A_1550 = vector.load %arg20[%get3A_1548, %get3A_1549] : memref<16x1xf32, #tpu.memory_space<vmem>>, vector<16x1xf32>
    %add3A_1551 = vector.broadcast %get3A_1550 : vector<16x1xf32> to vector<16x2048xf32>
    %add3A_1552 = arith.addf %dot_general3A_1547, %add3A_1551 : vector<16x2048xf32>
    %swap3A = arith.constant 0 : index
    %swap3A_1553 = arith.constant 0 : index
    %swap3A_1554 = vector.load %arg22[%swap3A, %swap3A_1553] : memref<16x2048xf32, #tpu.memory_space<vmem>>, vector<16x2048xf32>
    tpu.vector_store %arg22[%swap3A, %swap3A_1553], %add3A_1552 {strides = array<i32>} : memref<16x2048xf32, #tpu.memory_space<vmem>>, vector<16x2048xf32>,
    %get3A_1555 = arith.constant 0 : index
    %get3A_1556 = arith.constant 0 : index
    %get3A_1557 = vector.load %arg21[%get3A_1555, %get3A_1556] : memref<512x16xf32, #tpu.memory_space<vmem>>, vector<512x16xf32>
    %mul3A_1558 = arith.mulf %get3A_1557, %get3A_1557 : vector<512x16xf32>
    %reduce_sum3A_1559 = arith.constant dense<0.000000e+00> : vector<512xf32>
    %reduce_sum3A_1560 = vector.multi_reduction <add>, %mul3A_1558, %reduce_sum3A_1559 [1] : vector<512x16xf32> to vector<512xf32>
    %broadcast_in_dim3A_1561 = vector.shape_cast %reduce_sum3A_1560 : vector<512xf32> to vector<512x1xf32>
    %mul3A_1562 = arith.mulf %add3A_1552, %add3A_1552 : vector<16x2048xf32>
    %reduce_sum3A_1563 = arith.constant dense<0.000000e+00> : vector<2048xf32>
    %reduce_sum3A_1564 = vector.multi_reduction <add>, %mul3A_1562, %reduce_sum3A_1563 [0] : vector<16x2048xf32> to vector<2048xf32>
    %broadcast_in_dim3A_1565 = vector.shape_cast %reduce_sum3A_1564 : vector<2048xf32> to vector<1x2048xf32>
    %add3A_1566 = vector.broadcast %broadcast_in_dim3A_1565 : vector<1x2048xf32> to vector<512x2048xf32>
    %add3A_1567 = vector.broadcast %broadcast_in_dim3A_1561 : vector<512x1xf32> to vector<512x2048xf32>
    %add3A_1568 = arith.addf %add3A_1566, %add3A_1567 : vector<512x2048xf32>
    %dot_general3A_1569 = arith.constant dense<0.000000e+00> : vector<512x2048xf32>
    %dot_general3A_1570 = tpu.matmul %get3A_1557, %add3A_1552, %dot_general3A_1569 {dimension_numbers = #tpu.dot_dimension_numbers<[1], [0], [0], [1], [0, 0, 1, 1], [], []>, transpose_lhs_hint = false} : vector<512x16xf32>, vector<16x2048xf32>, vector<512x2048xf32> -> vector<512x2048xf32>
    %mul3A_1571 = arith.constant 2.000000e+00 : f32
    %mul3A_1572 = vector.broadcast %mul3A_1571 : f32 to vector<512x2048xf32>
    %mul3A_1573 = arith.mulf %mul3A_1572, %dot_general3A_1570 : vector<512x2048xf32>
    %sub3A_1574 = arith.subf %add3A_1568, %mul3A_1573 : vector<512x2048xf32>
    %reduce_min3A = arith.constant dense<0x7F800000> : vector<2048xf32>
    %reduce_min3A_1575 = vector.multi_reduction <minimumf>, %sub3A_1574, %reduce_min3A [0] : vector<512x2048xf32> to vector<2048xf32>
    %broadcast_in_dim3A_1576 = vector.shape_cast %reduce_min3A_1575 : vector<2048xf32> to vector<1x2048xf32>
    %iota3A = tpu.iota {dimensions = array<i32: 0>} : vector<512x2048xi32>
    %eq3A = vector.broadcast %broadcast_in_dim3A_1576 : vector<1x2048xf32> to vector<512x2048xf32>
    %eq3A_1577 = arith.cmpf oeq, %sub3A_1574, %eq3A : vector<512x2048xf32>
    %jit3A = arith.constant 512 : i32
    %broadcast_in_dim3A_1578 = vector.broadcast %jit3A : i32 to vector<512x2048xi32>
    %select_n3A = arith.select %eq3A_1577, %iota3A, %broadcast_in_dim3A_1578 : vector<512x2048xi1>, vector<512x2048xi32>
    %reduce_min3A_1579 = arith.constant dense<2147483647> : vector<2048xi32>
    %reduce_min3A_1580 = vector.multi_reduction <minsi>, %select_n3A, %reduce_min3A_1579 [0] : vector<512x2048xi32> to vector<2048xi32>
    %broadcast_in_dim3A_1581 = vector.shape_cast %reduce_min3A_1580 : vector<2048xi32> to vector<1x2048xi32>
    %swap3A_1582 = arith.constant 0 : index
    %swap3A_1583 = arith.constant 0 : index
    %swap3A_1584 = vector.load %arg23[%swap3A_1582, %swap3A_1583] : memref<1x2048xi32, #tpu.memory_space<vmem>>, vector<1x2048xi32>
    tpu.vector_store %arg23[%swap3A_1582, %swap3A_1583], %broadcast_in_dim3A_1581 {strides = array<i32>} : memref<1x2048xi32, #tpu.memory_space<vmem>>, vector<1x2048xi32>,
    return
  }
  func.func @transform_0(%arg0: i32) -> (i32, i32, i32) {
    %c0_i32 = arith.constant 0 : i32
    %c0_i32_0 = arith.constant 0 : i32
    %c0_i32_1 = arith.constant 0 : i32
    return %c0_i32, %c0_i32_0, %arg0 : i32, i32, i32
  }
  func.func @transform_1(%arg0: i32) -> (i32, i32) {
    %c0_i32 = arith.constant 0 : i32
    %c0_i32_0 = arith.constant 0 : i32
    %c0_i32_1 = arith.constant 0 : i32
    return %c0_i32, %c0_i32_0 : i32, i32
  }
  func.func @transform_2(%arg0: i32) -> (i32, i32) {
    %c0_i32 = arith.constant 0 : i32
    %c0_i32_0 = arith.constant 0 : i32
    %c0_i32_1 = arith.constant 0 : i32
    return %c0_i32, %c0_i32_0 : i32, i32
  }
  func.func @transform_3(%arg0: i32) -> (i32, i32) {
    %c0_i32 = arith.constant 0 : i32
    %c0_i32_0 = arith.constant 0 : i32
    %c0_i32_1 = arith.constant 0 : i32
    return %c0_i32, %c0_i32_0 : i32, i32
  }
  func.func @transform_4(%arg0: i32) -> (i32, i32, i32) {
    %c0_i32 = arith.constant 0 : i32
    %c0_i32_0 = arith.constant 0 : i32
    %c0_i32_1 = arith.constant 0 : i32
    %c0_i32_2 = arith.constant 0 : i32
    return %c0_i32, %c0_i32_0, %c0_i32_1 : i32, i32, i32
  }
  func.func @transform_5(%arg0: i32) -> (i32, i32, i32) {
    %c0_i32 = arith.constant 0 : i32
    %c0_i32_0 = arith.constant 0 : i32
    %c0_i32_1 = arith.constant 0 : i32
    %c0_i32_2 = arith.constant 0 : i32
    return %c0_i32, %c0_i32_0, %c0_i32_1 : i32, i32, i32
  }
  func.func @transform_6(%arg0: i32) -> (i32, i32, i32) {
    %c0_i32 = arith.constant 0 : i32
    %c0_i32_0 = arith.constant 0 : i32
    %c0_i32_1 = arith.constant 0 : i32
    %c0_i32_2 = arith.constant 0 : i32
    return %c0_i32, %c0_i32_0, %c0_i32_1 : i32, i32, i32
  }
  func.func @transform_7(%arg0: i32) -> (i32, i32, i32) {
    %c0_i32 = arith.constant 0 : i32
    %c0_i32_0 = arith.constant 0 : i32
    %c0_i32_1 = arith.constant 0 : i32
    %c0_i32_2 = arith.constant 0 : i32
    return %c0_i32, %c0_i32_0, %c0_i32_1 : i32, i32, i32
  }
  func.func @transform_8(%arg0: i32) -> (i32, i32, i32) {
    %c0_i32 = arith.constant 0 : i32
    %c0_i32_0 = arith.constant 0 : i32
    %c0_i32_1 = arith.constant 0 : i32
    %c0_i32_2 = arith.constant 0 : i32
    return %c0_i32, %c0_i32_0, %c0_i32_1 : i32, i32, i32
  }
  func.func @transform_9(%arg0: i32) -> (i32, i32, i32) {
    %c0_i32 = arith.constant 0 : i32
    %c0_i32_0 = arith.constant 0 : i32
    %c0_i32_1 = arith.constant 0 : i32
    %c0_i32_2 = arith.constant 0 : i32
    return %c0_i32, %c0_i32_0, %c0_i32_1 : i32, i32, i32
  }
  func.func @transform_10(%arg0: i32) -> (i32, i32, i32) {
    %c0_i32 = arith.constant 0 : i32
    %c0_i32_0 = arith.constant 0 : i32
    %c0_i32_1 = arith.constant 0 : i32
    %c0_i32_2 = arith.constant 0 : i32
    return %c0_i32, %c0_i32_0, %c0_i32_1 : i32, i32, i32
  }
  func.func @transform_11(%arg0: i32) -> (i32, i32, i32) {
    %c0_i32 = arith.constant 0 : i32
    %c0_i32_0 = arith.constant 0 : i32
    %c0_i32_1 = arith.constant 0 : i32
    %c0_i32_2 = arith.constant 0 : i32
    return %c0_i32, %c0_i32_0, %c0_i32_1 : i32, i32, i32
  }
  func.func @transform_12(%arg0: i32) -> (i32, i32, i32) {
    %c0_i32 = arith.constant 0 : i32
    %c0_i32_0 = arith.constant 0 : i32
    %c0_i32_1 = arith.constant 0 : i32
    %c0_i32_2 = arith.constant 0 : i32
    return %c0_i32, %c0_i32_0, %c0_i32_1 : i32, i32, i32
  }
  func.func @transform_13(%arg0: i32) -> (i32, i32, i32) {
    %c0_i32 = arith.constant 0 : i32
    %c0_i32_0 = arith.constant 0 : i32
    %c0_i32_1 = arith.constant 0 : i32
    %c0_i32_2 = arith.constant 0 : i32
    return %c0_i32, %c0_i32_0, %c0_i32_1 : i32, i32, i32
  }
  func.func @transform_14(%arg0: i32) -> (i32, i32, i32) {
    %c0_i32 = arith.constant 0 : i32
    %c0_i32_0 = arith.constant 0 : i32
    %c0_i32_1 = arith.constant 0 : i32
    %c0_i32_2 = arith.constant 0 : i32
    return %c0_i32, %c0_i32_0, %c0_i32_1 : i32, i32, i32
  }
  func.func @transform_15(%arg0: i32) -> (i32, i32, i32) {
    %c0_i32 = arith.constant 0 : i32
    %c0_i32_0 = arith.constant 0 : i32
    %c0_i32_1 = arith.constant 0 : i32
    %c0_i32_2 = arith.constant 0 : i32
    return %c0_i32, %c0_i32_0, %c0_i32_1 : i32, i32, i32
  }
  func.func @transform_16(%arg0: i32) -> (i32, i32) {
    %c0_i32 = arith.constant 0 : i32
    %c0_i32_0 = arith.constant 0 : i32
    %c0_i32_1 = arith.constant 0 : i32
    return %c0_i32, %c0_i32_0 : i32, i32
  }
  func.func @transform_17(%arg0: i32) -> (i32, i32) {
    %c0_i32 = arith.constant 0 : i32
    %c0_i32_0 = arith.constant 0 : i32
    %c0_i32_1 = arith.constant 0 : i32
    return %c0_i32, %c0_i32_0 : i32, i32
  }
  func.func @transform_18(%arg0: i32) -> (i32, i32) {
    %c0_i32 = arith.constant 0 : i32
    %c0_i32_0 = arith.constant 0 : i32
    %c0_i32_1 = arith.constant 0 : i32
    return %c0_i32, %c0_i32_0 : i32, i32
  }
  func.func @transform_19(%arg0: i32) -> (i32, i32) {
    %c0_i32 = arith.constant 0 : i32
    %c0_i32_0 = arith.constant 0 : i32
    %c0_i32_1 = arith.constant 0 : i32
    return %c0_i32, %c0_i32_0 : i32, i32
  }
  func.func @transform_20(%arg0: i32) -> (i32, i32) {
    %c0_i32 = arith.constant 0 : i32
    %c0_i32_0 = arith.constant 0 : i32
    %c0_i32_1 = arith.constant 0 : i32
    return %c0_i32, %c0_i32_0 : i32, i32
  }
  func.func @transform_21(%arg0: i32) -> (i32, i32) {
    %c0_i32 = arith.constant 0 : i32
    %c0_i32_0 = arith.constant 0 : i32
    return %c0_i32, %arg0 : i32, i32
  }
  func.func @transform_22(%arg0: i32) -> (i32, i32) {
    %c0_i32 = arith.constant 0 : i32
    %c0_i32_0 = arith.constant 0 : i32
    return %c0_i32, %arg0 : i32, i32
  }
}

</mosaic_0001>

<sc_bundles>
// kernel: kernel.5.cloned.1.call-start
scs
__scs_entry_jumppad:
0x0: {  	(pc) =	sbr.rel $0x88, $3  }
0x1: {  	(tag) =	ssettag $0x0;
	lr =	simm.s32 $0x1  }
0x2: {  	[smem:$0x3F82] =	sst lr;
	_ =	strace $0xD0000000  }
0x3: {  	_ = 	snop  }
0x4: {  	_ = 	snop  }
0x5: {  	_ = 	snop  }
0x6: {  	_ = 	snop  }
0x7: {  	_ = 	snop  }
__scs_overlays_trampoline_lowered:
0x8: {  	[smem:$0x3F91] =	sst s0  }
0x9: {  	[smem:$0x3F92] =	sst s1  }
0xa: {  	[smem:$0x3F93] =	sst s2  }
0xb: {  	[smem:$0x3F94] =	sst s3  }
0xc: {  	[smem:$0x3F95] =	sst s4  }
0xd: {  	[smem:$0x3F96] =	sst s5  }
0xe: {  	[smem:$0x3F97] =	sst s6  }
0xf: {  	[smem:$0x3F98] =	sst s7  }
0x10: {  	[smem:$0x3F99] =	sst s8  }
0x11: {  	[smem:$0x3F9A] =	sst s9;
	s0 =	simm.s32 @!p0 $0x0  }
0x12: {  	s1 =	sld [smem:$0x3F80];
	s0 =	simm.s32 @p0 $0x1  }
0x13: {  	[smem:$0x3F9B] =	sst s0;
	s0 =	simm.s32 @!p1 $0x0  }
0x14: {  	s2 =	sld [smem:$0x3F7F];
	s0 =	simm.s32 @p1 $0x1  }
0x15: {  	[smem:$0x3F9C] =	sst s0;
	s0 =	simm.s32 @!p2 $0x0  }
0x16: {  	s3 =	sld [smem:$0x3FDB];
	s0 =	simm.s32 @p2 $0x1  }
0x17: {  	s4 =	simm.s32 $0x1BF5;
	[smem:$0x3F9E] =	sst s0  }
0x18: {  	s0 =	sld [smem:$0x3F81];
	_ =	swait.ge [sflag:s4], $0x0  }
0x19: {  	s7 =	sld [smem:$0x3F82]  }
0x1a: {  	s8 =	sadd.s32 $0xFFFFE003, lr  }
0x1b: {  	s9 =	sadd.s32 $0xFFFFFEF7, lr;
	s5 =	simm.s32 $0xFFFFFFFF;
	p2 =	slt.u32 s8, $0xFFFFF086  }
0x1c: {  	p1 =	slt.u32 s9, $0xF7A;
	s5 =	simm.s32 @!p2 $0x0  }
0x1d: {  	s5 =	simm.s32 @p1 $0x1;
	p0 =	seq.s32 s7, s2  }
0x1e: {  	s7 =	smul.u32 @!p0 $0xF7A, s2;
	p2 =	seq.s32 @!p0 s5, $0x0  }
0x1f: {  	s9 =	smul.u32 $0xF7A, s1;
	s8 =	simm.s32 @!p0 $0x1BF5;
	p2 =	por !p2, p0  }
0x20: {  	[sflag:s8] =	ssyncset.s32 @!p0 $0xFFFFF086;
	s6 =	sadd.s32 @!p0 s3, s7;
	s7 =	simm.s32 @!p0 $0x108  }
0x21: {  	s3 =	sadd.s32 s3, s9;
	s6 =	sadd.s32 @!p0 $0x88, s6;
	s7 =	simm.s32 @p2 $0x1082  }
0x22: {  	[simem:s7], [sflag:s8] =	dma.local @!p0 [hbm:s6], $0xF7A  }
0x23: {  	s9 =	sor.u32 $0xD0000000, s2;
	s6 =	simm.s32 $0x108;
	_ =	swait.ge @!p0 [sflag:s8], $0x0  }
0x24: {  	s3 =	sadd.s32 $0x88, s3;
	s6 =	simm.s32 @!p1 $0x1082;
	[sflag:s4] =	ssyncset.s32 $0xFFFFF086  }
0x25: {  	[simem:s6], [sflag:s4] =	dma.local [hbm:s3], $0xF7A  }
0x26: {  	[smem:$0x3F82] =	sst s1;
	(tag) =	ssettag s2;
	_ =	strace s9  }
0x27: {  	s1 =	sld [smem:$0x3F92]  }
0x28: {  	s2 =	sld [smem:$0x3F93]  }
0x29: {  	s4 =	sld [smem:$0x3F95]  }
0x2a: {  	p0 =	seq.s32 s5, $0x0;
	s5 =	sld [smem:$0x3F96]  }
0x2b: {  	s6 =	sld [smem:$0x3F97]  }
0x2c: {  	s7 =	sld [smem:$0x3F98]  }
0x2d: {  	s3 =	simm.s32 $0x108;
	s8 =	sld [smem:$0x3F99]  }
0x2e: {  	s3 =	simm.s32 @!p0 $0x1082;
	s9 =	sld [smem:$0x3F9A]  }
0x2f: {  	lr =	sadd.s32 s0, s3;
	s0 =	sld [smem:$0x3F91]  }
0x30: {  	s3 =	sld [smem:$0x3F94]  }
0x31: {  	[smem:$0x3F9D] =	sst s10  }
0x32: {  	s10 =	sld [smem:$0x3F9B];
	_ =	sdelay $0x3  }
0x33: {  	p0 =	seq.s32 s10, $0x1;
	s10 =	sld [smem:$0x3F9D];
	_ =	sdelay $0x3  }
0x34: {  	[smem:$0x3F9D] =	sst s10  }
0x35: {  	s10 =	sld [smem:$0x3F9C];
	_ =	sdelay $0x3  }
0x36: {  	p1 =	seq.s32 s10, $0x1;
	s10 =	sld [smem:$0x3F9D];
	_ =	sdelay $0x3  }
0x37: {  	[smem:$0x3F9D] =	sst s10  }
0x38: {  	s10 =	sld [smem:$0x3F9E]  }
0x39: {  	_ = 	snop;
	(pc) =	sbr.ind lr, $3  }
0x3a: {  	_ = 	snop  }
0x3b: {  	_ = 	snop  }
0x3c: {  	p2 =	seq.s32 s10, $0x1;
	s10 =	sld [smem:$0x3F9D]  }
0x3d: {  	_ =	shalt  }
0x3e: {  	_ =	shalt  }
0x3f: {  	_ =	shalt  }
0x40: {  	_ =	shalt  }
0x41: {  	_ =	shalt  }
0x42: {  	_ =	shalt  }
0x43: {  	_ =	shalt  }
0x44: {  	_ =	shalt  }
0x45: {  	_ =	shalt  }
0x46: {  	_ =	shalt  }
0x47: {  	_ =	shalt  }
0x48: {  	_ =	shalt  }
0x49: {  	_ =	shalt  }
0x4a: {  	_ =	shalt  }
0x4b: {  	_ =	shalt  }
0x4c: {  	_ =	shalt  }
0x4d: {  	_ =	shalt  }
0x4e: {  	_ =	shalt  }
0x4f: {  	_ =	shalt  }
0x50: {  	_ =	shalt  }
0x51: {  	_ =	shalt  }
0x52: {  	_ =	shalt  }
0x53: {  	_ =	shalt  }
0x54: {  	_ =	shalt  }
0x55: {  	_ =	shalt  }
0x56: {  	_ =	shalt  }
0x57: {  	_ =	shalt  }
0x58: {  	_ =	shalt  }
0x59: {  	_ =	shalt  }
0x5a: {  	_ =	shalt  }
0x5b: {  	_ =	shalt  }
0x5c: {  	_ =	shalt  }
0x5d: {  	_ =	shalt  }
0x5e: {  	_ =	shalt  }
0x5f: {  	_ =	shalt  }
0x60: {  	_ =	shalt  }
0x61: {  	_ =	shalt  }
0x62: {  	_ =	shalt  }
0x63: {  	_ =	shalt  }
0x64: {  	_ =	shalt  }
0x65: {  	_ =	shalt  }
0x66: {  	_ =	shalt  }
0x67: {  	_ =	shalt  }
0x68: {  	_ =	shalt  }
0x69: {  	_ =	shalt  }
0x6a: {  	_ =	shalt  }
0x6b: {  	_ =	shalt  }
0x6c: {  	_ =	shalt  }
0x6d: {  	_ =	shalt  }
0x6e: {  	_ =	shalt  }
0x6f: {  	_ =	shalt  }
0x70: {  	_ =	shalt  }
0x71: {  	_ =	shalt  }
0x72: {  	_ =	shalt  }
0x73: {  	_ =	shalt  }
0x74: {  	_ =	shalt  }
0x75: {  	_ =	shalt  }
0x76: {  	_ =	shalt  }
0x77: {  	_ =	shalt  }
0x78: {  	_ =	shalt  }
0x79: {  	_ =	shalt  }
0x7a: {  	_ =	shalt  }
0x7b: {  	_ =	shalt  }
0x7c: {  	_ =	shalt  }
0x7d: {  	_ =	shalt  }
0x7e: {  	_ =	shalt  }
0x7f: {  	_ =	shalt  }
0x80: {  	_ =	shalt  }
0x81: {  	_ =	shalt  }
0x82: {  	_ =	shalt  }
0x83: {  	_ =	shalt  }
0x84: {  	_ =	shalt  }
0x85: {  	_ =	shalt  }
0x86: {  	_ =	shalt  }
0x87: {  	_ =	shalt  }
.Lfunc_end0:
.L_simem_size_0:
called_computation_lowered:
.L_overlay_start_0:
0x88: {  	s2 =	sld [smem:$0x3FD9]  }
0x89: {  	s3 =	sld [smem:$0x3FFE];
	_ =	sdelay $0x1  }
0x8a: {  	s1 =	srdreg.scid  }
0x8b: {  	s0 =	sand.u32 $0x1, s1  }
0x8c: {  	s14 =	sshll.u32 s0, $0xA;
	s2 =	sadd.s32 s3, s2  }
0x8d: {  	s2 =	sadd.s32 s2, s14  }
0x8e: {  	[smem:$0x3FA9] =	sst s2  }
0x8f: {  	_ = 	snop  }
0x90: {  	s2 =	sld [smem:$0x3FD0];
	_ =	sdelay $0x2  }
0x91: {  	s15 =	simm.s32 $0xA;
	s4 =	simm.s32 $0x10  }
0x92: {  	[smem:s4], [sflag:s15] =	dma.local [hbm:s2], $0x1  }
0x93: {  	_ =	swait.eq [sflag:s15], $0x1  }
0x94: {  	[sflag:s15] =	ssyncset.done $0x0  }
0x95: {  	s16 =	sld [smem:$0x10];
	[sflag:s15] =	ssyncadd.s32 $0xFFFFFFFF  }
0x96: {  	s17 =	sld [smem:$0x11];
	(tm) =	ssettm $0x1  }
0x97: {  	s18 =	sld [smem:$0x3FFB];
	_ =	sdelay $0x3  }
0x98: {  	_ =	strace s18  }
0x99: {  	s4 =	sld [smem:$0x3FFC];
	_ =	sdelay $0x3  }
0x9a: {  	_ =	strace s4  }
0x9b: {  	s4 =	sld [smem:$0x3FFD];
	_ =	sdelay $0x3  }
0x9c: {  	_ =	strace s4  }
0x9d: {  	_ =	strace $0x8FFFFFFF  }
0x9e: {  	s19 =	sld [smem:$0x3FDB];
	_ =	sdelay $0x1  }
0x9f: {  	s5 =	simm.s32 $_scs_section_size  }
0xa0: {  	s6 =	simm.s32 $_size__tile_overlayer_lowered;
	s7 =	simm.s32 $_tile_overlayer_lowered  }
0xa1: {  	s22 =	simm.s32 $0x1BFF;
	s21 =	sshll.u32 s7, $0x1;
	s4 =	sadd.s32 s5, s19  }
0xa2: {  	s8 =	simm.s32 $0x0;
	s20 =	sshll.u32 s6, $0x1;
	s6 =	sadd.s32 s21, s4  }
0xa3: {  	[timem:s8], [sflag:s22] =	dma.local [hbm:s6], s20  }
0xa4: {  	_ =	swait.ge [sflag:s22], s20  }
0xa5: {  	s5 =	ssub.s32 $0x0, s20;
	[sflag:s22] =	ssyncset.done $0x0  }
0xa6: {  	[sflag:s22] =	ssyncadd.s32 s5;
	_ =	sdelay $0x1  }
0xa7: {  	s23 =	simm.s32 $0x1B8B  }
0xa8: {  	_ =	swait.ge [sflag:s23], $0x1  }
0xa9: {  	[sflag:s23] =	ssyncset.done $0x0  }
0xaa: {  	s25 =	simm.s32 $0x1B8E;
	s24 =	sld [smem:$0x3FFE];
	[sflag:s23] =	ssyncadd.s32 $0xFFFFFFFF  }
0xab: {  	s26 =	simm.s32 $execute0_lowered;
	[smem:$0x3FD2] =	sst s25  }
0xac: {  	s6 =	sshll.u32 s26, $0x1;
	_ =	strace $0x80000046;
	[dreg:$0x1] =	wrdreg $0xFFFFFFFF  }
0xad: {  	s28 =	simm.s32 $_size_execute0_lowered;
	s4 =	sadd.s32 s4, s6;
	[dreg:$0x0] =	wrdreg $0x0  }
0xae: {  	s6 =	sshll.u32 s28, $0x1;
	[dreg:$0x2] =	wrdreg s4  }
0xaf: {  	[dreg:$0x3] =	wrdreg s6  }
0xb0: {  	[dreg:$0x4] =	wrdreg $0xC0  }
0xb1: {  	_ =	task [dreg:s8], $0x5FFFF  }
0xb2: {  	[dreg:$0x1] =	wrdreg $0xFFFFFFFF  }
0xb3: {  	[dreg:$0x0] =	wrdreg $0x60  }
0xb4: {  	[dreg:$0x2] =	wrdreg s17  }
0xb5: {  	[dreg:$0x3] =	wrdreg s16  }
0xb6: {  	[dreg:$0x4] =	wrdreg s24  }
0xb7: {  	[dreg:$0x5] =	wrdreg $0x9  }
0xb8: {  	_ =	task.clear_ibuf [dreg:s8], $0x6FFFF;
	_ =	strace $0x90000046  }
0xb9: {  	s29 =	simm.s32 $0x9;
	_ =	strace $0x80000048  }
0xba: {  	_ =	swait.ge [sflag:s29], $0x1  }
0xbb: {  	[sflag:s29] =	ssyncadd.s32 $0xFFFFFFFF  }
0xbc: {  	_ =	strace $0x90000048  }
0xbd: {  	_ =	sfence  }
0xbe: {  	s30 =	sld [smem:$0x0];
	_ =	sdelay $0x2  }
0xbf: {  	s31 =	sshll.u32 s1, $0xD;
	s1 =	sshrl.u32 s1, $0x2  }
0xc0: {  	s3 =	sand.u32 $0x4000, s31;
	s1 =	sadd.s32 s1, s30  }
0xc1: {  	s0 =	sor.u32 s3, s0;
	s1 =	sshll.u32 s1, $0x11  }
0xc2: {  	s0 =	sor.u32 s1, s0  }
0xc3: {  	s0 =	sadd.s32 $0x8F2B, s0  }
0xc4: {  	[sflag:s0] =	ssyncadd.remote.s32 $0x1  }
0xc5: {  	_ =	sfence.sel $0xFFFF  }
0xc6: {  	[dreg:$0x0] =	wrdreg $0xFFFFFFFF;
	(pc) =	sbr.abs _section_cstart, $3  }
0xc7: {  	[dreg:$0x1] =	wrdreg $0xFFFFFFFF  }
0xc8: {  	_ =	task.clear_ibuf [dreg:s8], $0x2FFFF;
	_ =	strace $0x9FFFFFFF  }
0xc9: {  	(tm) =	ssettm $0x7FFFFFFF  }
tec
execute0_lowered:
.L_overlay_start_1:
0x0: {  	(tag) =	ssettag $0x1  }
0x1: {  	s1 =	rddreg [dreg:$0x0];
	s2 =	srdreg.scid  }
0x2: {  	s4 =	rddreg [dreg:$0x1];
	s0 =	stileid.u32  }
0x3: {  	s8 =	rddreg [dreg:$0x2];
	s3 =	simm.s32 $0x0;
	s6 =	sand.u32 $0x1, s2  }
0x4: {  	s5 =	sshll.u32 s0, $0xA;
	s2 =	rddreg [dreg:$0x3];
	s7 =	sshll.u32 s6, $0x9  }
0x5: {  	[smem:$0x7FF] =	sst s3;
	s9 =	sor.u32 s7, s5  }
0x6: {  	_ =	strace $0x80000047;
	s10 =	ssub.s32 $0x2, s6;
	s5 =	sshrl.u32 s9, $0x3  }
0x7: {  	s6 =	simm.s32 $0x200;
	s5 =	sadd.s32 s4, s5;
	s4 =	simm.s32 $0x2  }
0x8: {  	[tilespmem:s3], [sflag:$0x2] =	stream.linear.gather [hbm4b:s5+s3], $0x200, $0x38;
	[tilespmem:$0x10200] =	vst v63  }
0x9: {  	s7 =	simm.s32 $0x1;
	s11 =	sshrl.u32 s10, $0x1;
	_ =	swait.ge [sflag:s4], $0x200  }
0xa: {  	s9 =	sshll.u32 s9, $0x4;
	s31 =	ssub.s32 s10, s11;
	[sflag:s4] =	ssyncset.done $0x0  }
0xb: {  	s8 =	sadd.s32 s9, s8;
	s9 =	smax.u32 s31, $0x1;
	[sflag:s4] =	ssyncadd.s32 $0xFFFFFE00  }
0xc: {  	[tilespmem:s6], [sflag:$0x1] =	stream.indirect.gather [hbm4b:s1+s6], $0x80, s3, s6, $0xb8;
	[tilespmem:$0x10200] =	vst v63  }
0xd: {  	p0 =	sne.s32 s9, $0x1;
	_ =	swait.ge [sflag:s7], $0x10000  }
.Ltmp0:
0xe: {  	[sflag:s7] =	ssyncset.done $0x0;
	(pc) =	sbr.rel @!p0 .LBB2_2-.Ltmp0, $4  }
0xf: {  	s8 =	sadd.s32 $0x2600, s8;
	[sflag:s7] =	ssyncadd.s32 $0xFFFF0000  }
0x10: {  	[hbm4b:s8+s3] =	stream.linear.scatter [tilespmem:s6], [sflag:$0x2], $0x10000, $0x38;
	[tilespmem:$0x10200] =	vst v63  }
0x11: {  	_ =	swait.ge [sflag:s4], $0x10000  }
0x12: {  	s9 =	sadd.s32 $0xFFFFFFFF, s9;
	[sflag:s4] =	ssyncset.done $0x0  }
.LBB2_1:
0x13: {  	p0 =	sne.s32 s9, $0x1;
	s9 =	sadd.s32 $0xFFFFFFFF, s9;
	[sflag:s4] =	ssyncadd.s32 $0xFFFF0000  }
0x14: {  	[tilespmem:s3], [sflag:$0x2] =	stream.linear.gather [hbm4b:s5+s3], $0x200, $0x38;
	[tilespmem:$0x10200] =	vst v63  }
0x15: {  	_ =	swait.ge [sflag:s4], $0x200  }
0x16: {  	[sflag:s4] =	ssyncset.done $0x0  }
0x17: {  	[sflag:s4] =	ssyncadd.s32 $0xFFFFFE00  }
0x18: {  	[tilespmem:s6], [sflag:$0x1] =	stream.indirect.gather [hbm4b:s1+s6], $0x80, s3, s6, $0xb8;
	[tilespmem:$0x10200] =	vst v63  }
0x19: {  	_ =	swait.ge [sflag:s7], $0x10000  }
.Ltmp1:
0x1a: {  	[sflag:s7] =	ssyncset.done $0x0;
	(pc) =	sbr.rel @p0 .LBB2_1-.Ltmp1, $4  }
0x1b: {  	[sflag:s7] =	ssyncadd.s32 $0xFFFF0000  }
0x1c: {  	[hbm4b:s8+s3] =	stream.linear.scatter [tilespmem:s6], [sflag:$0x2], $0x10000, $0x38;
	[tilespmem:$0x10200] =	vst v63  }
0x1d: {  	_ =	swait.ge [sflag:s4], $0x10000  }
0x1e: {  	[sflag:s4] =	ssyncset.done $0x0  }
.LBB2_2:
0x1f: {  	[sflag:s4] =	ssyncadd.s32 $0xFFFF0000  }
0x20: {  	_ =	sfence.sel $0x180000  }
0x21: {  	[bflag:$0x0] =	sbarrier.arrive $0xFFFF  }
0x22: {  	p0 =	sne.s32 s0, $0x0;
	_ =	strace $0x90000047  }
0x23: {  	s0 =	sadd.s32 @!p0 $0x100000, s2;
	[bflag:$0x2] =	sbarrier.arrive $0xFFFF  }
0x24: {  	[sflag:s0] =	ssyncadd.tile.s32 @!p0 $0x1;
	_ =	shalt  }
.Lfunc_end2:
_tile_overlayer_lowered:
.L_overlay_start_2:
0x25: {  	(tag) =	ssettag $0x2  }
0x26: {  	s0 =	rddreg [dreg:$0x0];
	s2 =	stileid.u32  }
0x27: {  	s1 =	rddreg [dreg:$0x1];
	p0 =	sne.s32 s2, $0x0  }
0x28: {  	s3 =	rddreg [dreg:$0x2];
	[bflag:$0x3] =	sbarrier.arrive $0xFFFF;
	s2 =	simm.s32 @!p0 $0x1C02  }
0x29: {  	[timem:s3], [sflag:s2] =	dma.local @!p0 [hbm:s0], s1  }
0x2a: {  	s0 =	simm.s32 @!p0 $0x2  }
0x2b: {  	_ =	swait.ge @!p0 [sflag:s0], s1  }
0x2c: {  	s1 =	ssub.s32 @!p0 $0x0, s1;
	[sflag:s0] =	ssyncset.done @!p0 $0x0  }
0x2d: {  	[sflag:s0] =	ssyncadd.s32 @!p0 s1  }
0x2e: {  	[bflag:$0x3] =	sbarrier.arrive $0xFFFF  }
0x2f: {  	_ =	shalt  }

</sc_bundles>
